<compile_context>
chip_gen: v7x
topology: tpu7x:2x2x1
jax: 0.10.2.dev20260603
libtpu: 0.0.44.dev20260713+nightly
codegen_flags: <defaults>
</compile_context>

<pallas_src>
import functools

import jax
import jax.numpy as jnp
from jax import lax
from jax.experimental import pallas as pl
from jax.experimental.pallas import tpu as pltpu
from jax.experimental.pallas import tpu_sc as plsc

D = 768
C = 32
NBUF = 4


def _sc_gather(tokens_flat, table):
    B = tokens_flat.shape[0]
    info = plsc.get_sparse_core_info()
    num_cores, num_subcores = info.num_cores, info.num_subcores
    nw = num_cores * num_subcores
    b_per_w = B // nw
    n = b_per_w // C
    assert n >= 8 and (n - 4) % NBUF == 0
    mesh = plsc.VectorSubcoreMesh(core_axis_name="c", subcore_axis_name="s")

    @functools.partial(
        pl.kernel,
        mesh=mesh,
        out_type=jax.ShapeDtypeStruct((B, D), jnp.float32),
        scratch_types=[
            pltpu.VMEM((b_per_w,), jnp.int32),
        ] + [pltpu.VMEM((C, D), jnp.float32) for _ in range(NBUF)]
          + [pltpu.SemaphoreType.DMA for _ in range(2 * NBUF)],
    )
    def k(tok_hbm, table_hbm, out_hbm, idx_v, *bufs):
        rows = bufs[:NBUF]
        gsem = bufs[NBUF:2 * NBUF]
        osem = bufs[2 * NBUF:]
        wid = lax.axis_index("s") * num_cores + lax.axis_index("c")
        base = wid * b_per_w

        pltpu.sync_copy(tok_hbm.at[pl.ds(base, b_per_w)], idx_v)

        H = C // 2

        def start_gather(i, b):
            for h in (0, 1):
                pltpu.async_copy(
                    table_hbm.at[idx_v.at[pl.ds(i * C + h * H, H)]],
                    rows[b].at[pl.ds(h * H, H)], gsem[b])

        def wait_gather(i, b):
            for h in (0, 1):
                pltpu.make_async_copy(
                    table_hbm.at[idx_v.at[pl.ds(i * C + h * H, H)]],
                    rows[b].at[pl.ds(h * H, H)], gsem[b]).wait()

        def start_out(i, b):
            for h in (0, 1):
                pltpu.async_copy(
                    rows[b].at[pl.ds(h * H, H)],
                    out_hbm.at[pl.ds(base + i * C + h * H, H)], osem[b])

        def wait_out(i, b):
            for h in (0, 1):
                pltpu.make_async_copy(
                    rows[b].at[pl.ds(h * H, H)],
                    out_hbm.at[pl.ds(base + i * C + h * H, H)], osem[b]).wait()

        start_gather(0, 0)
        start_gather(1, 1)
        wait_gather(0, 0)
        start_out(0, 0)
        start_gather(2, 2)
        wait_gather(1, 1)
        start_out(1, 1)
        start_gather(3, 3)

        def body(step, carry):
            i0 = 2 + step * NBUF
            for t in range(NBUF):
                i = i0 + t
                b = (2 + t) % NBUF
                wait_gather(i, b)
                start_out(i, b)
                wait_out(i - 2, (b + 2) % NBUF)
                start_gather(i + 2, (b + 2) % NBUF)
            return carry

        lax.fori_loop(0, (n - 4) // NBUF, body, 0)

        for i in (n - 2, n - 1):
            b = i % NBUF
            wait_gather(i, b)
            start_out(i, b)
        for i in (n - 4, n - 3, n - 2, n - 1):
            wait_out(i, i % NBUF)

    return k(tokens_flat, table)


def kernel(tokens, table):
    bsz, seq = tokens.shape
    out = _sc_gather(tokens.reshape(-1).astype(jnp.int32), table)
    return out.reshape(bsz, seq, D)

# --- scband reference (transcript-rebuilt; emitter-appended) ---
"""Pipeline reference for scband-roberta-encoder-61933428409331 (READ-ONLY COPY).

The authoritative reference and input builder live on the scoring server;
editing this copy changes nothing except your own understanding.
"""

import jax, jax.numpy as jnp
import numpy as np


def setup_inputs(seed: int = 0) -> dict:
    key = jax.random.key(seed)
    k1, k2 = jax.random.split(key)
    tokens = jax.random.randint(k1, (4096, 200), 0, 100000, dtype=jnp.int64 if jax.config.jax_enable_x64 else jnp.int32)
    table = jax.random.normal(k2, (100000, 768), dtype=jnp.float32) * 0.02
    return {"tokens": tokens, "table": table}


def reference(tokens, table):
    # nn.Embedding lookup: output = table[tokens]
    output = jnp.take(table, tokens, axis=0)
    return output

if __name__ == "__main__":
    import jax
    _d = setup_inputs()
    print(jax.jit(kernel)(*tuple(_d.values())))

</pallas_src>

<mosaic_0001>
#map = affine_map<(d0, d1) -> (0)>
#map1 = affine_map<(d0, d1) -> (0, 0)>
module attributes {stable_mosaic.version = 14 : i64} {
  func.func @k(%arg0: i32, %arg1: i32, %arg2: memref<819200xi32, #tpu.memory_space<hbm>>, %arg3: memref<100000x768xf32, #tpu.memory_space<hbm>>, %arg4: memref<819200x768xf32, #tpu.memory_space<hbm>>, %arg5: memref<25600xi32, #tpu.memory_space<vmem>>, %arg6: memref<32x768xf32, #tpu.memory_space<vmem>>, %arg7: memref<32x768xf32, #tpu.memory_space<vmem>>, %arg8: memref<32x768xf32, #tpu.memory_space<vmem>>, %arg9: memref<32x768xf32, #tpu.memory_space<vmem>>, %arg10: memref<!tpu.dma_semaphore, #tpu.memory_space<semaphore_mem>>, %arg11: memref<!tpu.dma_semaphore, #tpu.memory_space<semaphore_mem>>, %arg12: memref<!tpu.dma_semaphore, #tpu.memory_space<semaphore_mem>>, %arg13: memref<!tpu.dma_semaphore, #tpu.memory_space<semaphore_mem>>, %arg14: memref<!tpu.dma_semaphore, #tpu.memory_space<semaphore_mem>>, %arg15: memref<!tpu.dma_semaphore, #tpu.memory_space<semaphore_mem>>, %arg16: memref<!tpu.dma_semaphore, #tpu.memory_space<semaphore_mem>>, %arg17: memref<!tpu.dma_semaphore, #tpu.memory_space<semaphore_mem>>) attributes {dimension_semantics = [#tpu.dimension_semantics<core_parallel>, #tpu.dimension_semantics<subcore_parallel>], iteration_bounds = array<i64: 2, 16>, scalar_prefetch = 0 : i64, scratch_operands = 13 : i64, tpu.core_type = #tpu.core_type<sc_vector_subcore>, window_params = [{transform_indices = #map}, {transform_indices = #map1}, {transform_indices = #map1}]} {
    %mul3A = arith.constant 2 : i32
    %mul3A_0 = arith.muli %arg1, %mul3A : i32
    %add3A = arith.addi %mul3A_0, %arg0 : i32
    %mul3A_1 = arith.constant 25600 : i32
    %mul3A_2 = arith.muli %add3A, %mul3A_1 : i32
    "tpu.region"() ({
      %run_scoped3A = tpu.sem_alloc : memref<!tpu.dma_semaphore, #tpu.memory_space<semaphore_mem>>
      %dma_start3A_358 = tpu.memref_slice %arg2[%mul3A_2] : memref<819200xi32, #tpu.memory_space<hbm>> -> memref<25600xi32, #tpu.memory_space<hbm>>
      %dma_start3A_359 = tpu.memref_slice %arg2[%mul3A_2] : memref<819200xi32, #tpu.memory_space<hbm>> -> memref<25600xi32, #tpu.memory_space<hbm>>
      tpu.enqueue_dma source(%dma_start3A_359 : memref<25600xi32, #tpu.memory_space<hbm>>) target(%arg5 : memref<25600xi32, #tpu.memory_space<vmem>>) target_semaphore(%run_scoped3A : memref<!tpu.dma_semaphore, #tpu.memory_space<semaphore_mem>>)
      %dma_wait3A_360 = tpu.memref_slice %arg2[%mul3A_2] : memref<819200xi32, #tpu.memory_space<hbm>> -> memref<25600xi32, #tpu.memory_space<hbm>>
      %dma_wait3A_361 = tpu.memref_slice %arg2[%mul3A_2] : memref<819200xi32, #tpu.memory_space<hbm>> -> memref<25600xi32, #tpu.memory_space<hbm>>
      tpu.wait_dma2 semaphore(%run_scoped3A : memref<!tpu.dma_semaphore, #tpu.memory_space<semaphore_mem>>) src(%dma_wait3A_361 : memref<25600xi32, #tpu.memory_space<hbm>>) dst(%arg5 : memref<25600xi32, #tpu.memory_space<vmem>>)
      tpu.yield
    }) : () -> ()
    %dma_start3A = arith.constant 0 : i32
    %dma_start3A_3 = arith.constant 0 : i32
    %dma_start3A_4 = tpu.memref_slice %arg6[%dma_start3A, %dma_start3A_3] : memref<32x768xf32, #tpu.memory_space<vmem>> -> memref<16x768xf32, #tpu.memory_space<vmem>>
    %dma_start3A_5 = arith.constant 0 : i32
    %dma_start3A_6 = tpu.memref_slice %arg5[%dma_start3A_5] : memref<25600xi32, #tpu.memory_space<vmem>> -> memref<16xi32, #tpu.memory_space<vmem>>
    %dma_start3A_7 = arith.constant 0 : i32
    %dma_start3A_8 = arith.constant 0 : i32
    %dma_start3A_9 = tpu.memref_slice %arg3[%dma_start3A_7, %dma_start3A_8] : memref<100000x768xf32, #tpu.memory_space<hbm>> -> memref<100000x768xf32, #tpu.memory_space<hbm>>
    tpu.enqueue_indirect_dma source(%dma_start3A_9 : memref<100000x768xf32, #tpu.memory_space<hbm>>) target(%dma_start3A_4 : memref<16x768xf32, #tpu.memory_space<vmem>>) offsets(%dma_start3A_6 : memref<16xi32, #tpu.memory_space<vmem>>) semaphore(%arg10 : memref<!tpu.dma_semaphore, #tpu.memory_space<semaphore_mem>>)
    %dma_start3A_10 = arith.constant 16 : i32
    %dma_start3A_11 = arith.constant 0 : i32
    %dma_start3A_12 = tpu.memref_slice %arg6[%dma_start3A_10, %dma_start3A_11] : memref<32x768xf32, #tpu.memory_space<vmem>> -> memref<16x768xf32, #tpu.memory_space<vmem>>
    %dma_start3A_13 = arith.constant 16 : i32
    %dma_start3A_14 = tpu.memref_slice %arg5[%dma_start3A_13] : memref<25600xi32, #tpu.memory_space<vmem>> -> memref<16xi32, #tpu.memory_space<vmem>>
    %dma_start3A_15 = arith.constant 0 : i32
    %dma_start3A_16 = arith.constant 0 : i32
    %dma_start3A_17 = tpu.memref_slice %arg3[%dma_start3A_15, %dma_start3A_16] : memref<100000x768xf32, #tpu.memory_space<hbm>> -> memref<100000x768xf32, #tpu.memory_space<hbm>>
    tpu.enqueue_indirect_dma source(%dma_start3A_17 : memref<100000x768xf32, #tpu.memory_space<hbm>>) target(%dma_start3A_12 : memref<16x768xf32, #tpu.memory_space<vmem>>) offsets(%dma_start3A_14 : memref<16xi32, #tpu.memory_space<vmem>>) semaphore(%arg10 : memref<!tpu.dma_semaphore, #tpu.memory_space<semaphore_mem>>)
    %dma_start3A_18 = arith.constant 0 : i32
    %dma_start3A_19 = arith.constant 0 : i32
    %dma_start3A_20 = tpu.memref_slice %arg7[%dma_start3A_18, %dma_start3A_19] : memref<32x768xf32, #tpu.memory_space<vmem>> -> memref<16x768xf32, #tpu.memory_space<vmem>>
    %dma_start3A_21 = arith.constant 32 : i32
    %dma_start3A_22 = tpu.memref_slice %arg5[%dma_start3A_21] : memref<25600xi32, #tpu.memory_space<vmem>> -> memref<16xi32, #tpu.memory_space<vmem>>
    %dma_start3A_23 = arith.constant 0 : i32
    %dma_start3A_24 = arith.constant 0 : i32
    %dma_start3A_25 = tpu.memref_slice %arg3[%dma_start3A_23, %dma_start3A_24] : memref<100000x768xf32, #tpu.memory_space<hbm>> -> memref<100000x768xf32, #tpu.memory_space<hbm>>
    tpu.enqueue_indirect_dma source(%dma_start3A_25 : memref<100000x768xf32, #tpu.memory_space<hbm>>) target(%dma_start3A_20 : memref<16x768xf32, #tpu.memory_space<vmem>>) offsets(%dma_start3A_22 : memref<16xi32, #tpu.memory_space<vmem>>) semaphore(%arg11 : memref<!tpu.dma_semaphore, #tpu.memory_space<semaphore_mem>>)
    %dma_start3A_26 = arith.constant 16 : i32
    %dma_start3A_27 = arith.constant 0 : i32
    %dma_start3A_28 = tpu.memref_slice %arg7[%dma_start3A_26, %dma_start3A_27] : memref<32x768xf32, #tpu.memory_space<vmem>> -> memref<16x768xf32, #tpu.memory_space<vmem>>
    %dma_start3A_29 = arith.constant 48 : i32
    %dma_start3A_30 = tpu.memref_slice %arg5[%dma_start3A_29] : memref<25600xi32, #tpu.memory_space<vmem>> -> memref<16xi32, #tpu.memory_space<vmem>>
    %dma_start3A_31 = arith.constant 0 : i32
    %dma_start3A_32 = arith.constant 0 : i32
    %dma_start3A_33 = tpu.memref_slice %arg3[%dma_start3A_31, %dma_start3A_32] : memref<100000x768xf32, #tpu.memory_space<hbm>> -> memref<100000x768xf32, #tpu.memory_space<hbm>>
    tpu.enqueue_indirect_dma source(%dma_start3A_33 : memref<100000x768xf32, #tpu.memory_space<hbm>>) target(%dma_start3A_28 : memref<16x768xf32, #tpu.memory_space<vmem>>) offsets(%dma_start3A_30 : memref<16xi32, #tpu.memory_space<vmem>>) semaphore(%arg11 : memref<!tpu.dma_semaphore, #tpu.memory_space<semaphore_mem>>)
    %dma_wait3A = arith.constant 0 : i32
    %dma_wait3A_34 = arith.constant 0 : i32
    %dma_wait3A_35 = tpu.memref_slice %arg6[%dma_wait3A, %dma_wait3A_34] : memref<32x768xf32, #tpu.memory_space<vmem>> -> memref<16x768xf32, #tpu.memory_space<vmem>>
    %dma_wait3A_36 = arith.constant 0 : i32
    %dma_wait3A_37 = tpu.memref_slice %arg5[%dma_wait3A_36] : memref<25600xi32, #tpu.memory_space<vmem>> -> memref<16xi32, #tpu.memory_space<vmem>>
    %dma_wait3A_38 = arith.constant 0 : i32
    %dma_wait3A_39 = arith.constant 0 : i32
    %dma_wait3A_40 = tpu.memref_slice %arg3[%dma_wait3A_38, %dma_wait3A_39] : memref<100000x768xf32, #tpu.memory_space<hbm>> -> memref<100000x768xf32, #tpu.memory_space<hbm>>
    tpu.wait_indirect_dma semaphore(%arg10 : memref<!tpu.dma_semaphore, #tpu.memory_space<semaphore_mem>>) src(%dma_wait3A_40 : memref<100000x768xf32, #tpu.memory_space<hbm>>) dst(%dma_wait3A_35 : memref<16x768xf32, #tpu.memory_space<vmem>>)
    %dma_wait3A_41 = arith.constant 16 : i32
    %dma_wait3A_42 = arith.constant 0 : i32
    %dma_wait3A_43 = tpu.memref_slice %arg6[%dma_wait3A_41, %dma_wait3A_42] : memref<32x768xf32, #tpu.memory_space<vmem>> -> memref<16x768xf32, #tpu.memory_space<vmem>>
    %dma_wait3A_44 = arith.constant 16 : i32
    %dma_wait3A_45 = tpu.memref_slice %arg5[%dma_wait3A_44] : memref<25600xi32, #tpu.memory_space<vmem>> -> memref<16xi32, #tpu.memory_space<vmem>>
    %dma_wait3A_46 = arith.constant 0 : i32
    %dma_wait3A_47 = arith.constant 0 : i32
    %dma_wait3A_48 = tpu.memref_slice %arg3[%dma_wait3A_46, %dma_wait3A_47] : memref<100000x768xf32, #tpu.memory_space<hbm>> -> memref<100000x768xf32, #tpu.memory_space<hbm>>
    tpu.wait_indirect_dma semaphore(%arg10 : memref<!tpu.dma_semaphore, #tpu.memory_space<semaphore_mem>>) src(%dma_wait3A_48 : memref<100000x768xf32, #tpu.memory_space<hbm>>) dst(%dma_wait3A_43 : memref<16x768xf32, #tpu.memory_space<vmem>>)
    %add3A_49 = arith.constant 0 : i32
    %add3A_50 = arith.addi %mul3A_2, %add3A_49 : i32
    %add3A_51 = arith.constant 0 : i32
    %add3A_52 = arith.addi %add3A_50, %add3A_51 : i32
    %dma_start3A_53 = arith.constant 0 : i32
    %dma_start3A_54 = arith.constant 0 : i32
    %dma_start3A_55 = tpu.memref_slice %arg6[%dma_start3A_53, %dma_start3A_54] : memref<32x768xf32, #tpu.memory_space<vmem>> -> memref<16x768xf32, #tpu.memory_space<vmem>>
    %dma_start3A_56 = arith.constant 0 : i32
    %dma_start3A_57 = tpu.memref_slice %arg4[%add3A_52, %dma_start3A_56] : memref<819200x768xf32, #tpu.memory_space<hbm>> -> memref<16x768xf32, #tpu.memory_space<hbm>>
    %dma_start3A_58 = arith.constant 0 : i32
    %dma_start3A_59 = tpu.memref_slice %arg4[%add3A_52, %dma_start3A_58] : memref<819200x768xf32, #tpu.memory_space<hbm>> -> memref<16x768xf32, #tpu.memory_space<hbm>>
    %dma_start3A_60 = arith.constant 0 : i32
    %dma_start3A_61 = arith.constant 0 : i32
    %dma_start3A_62 = tpu.memref_slice %arg6[%dma_start3A_60, %dma_start3A_61] : memref<32x768xf32, #tpu.memory_space<vmem>> -> memref<16x768xf32, #tpu.memory_space<vmem>>
    tpu.enqueue_dma source(%dma_start3A_62 : memref<16x768xf32, #tpu.memory_space<vmem>>) target(%dma_start3A_59 : memref<16x768xf32, #tpu.memory_space<hbm>>) target_semaphore(%arg14 : memref<!tpu.dma_semaphore, #tpu.memory_space<semaphore_mem>>)
    %add3A_63 = arith.constant 0 : i32
    %add3A_64 = arith.addi %mul3A_2, %add3A_63 : i32
    %add3A_65 = arith.constant 16 : i32
    %add3A_66 = arith.addi %add3A_64, %add3A_65 : i32
    %dma_start3A_67 = arith.constant 16 : i32
    %dma_start3A_68 = arith.constant 0 : i32
    %dma_start3A_69 = tpu.memref_slice %arg6[%dma_start3A_67, %dma_start3A_68] : memref<32x768xf32, #tpu.memory_space<vmem>> -> memref<16x768xf32, #tpu.memory_space<vmem>>
    %dma_start3A_70 = arith.constant 0 : i32
    %dma_start3A_71 = tpu.memref_slice %arg4[%add3A_66, %dma_start3A_70] : memref<819200x768xf32, #tpu.memory_space<hbm>> -> memref<16x768xf32, #tpu.memory_space<hbm>>
    %dma_start3A_72 = arith.constant 0 : i32
    %dma_start3A_73 = tpu.memref_slice %arg4[%add3A_66, %dma_start3A_72] : memref<819200x768xf32, #tpu.memory_space<hbm>> -> memref<16x768xf32, #tpu.memory_space<hbm>>
    %dma_start3A_74 = arith.constant 16 : i32
    %dma_start3A_75 = arith.constant 0 : i32
    %dma_start3A_76 = tpu.memref_slice %arg6[%dma_start3A_74, %dma_start3A_75] : memref<32x768xf32, #tpu.memory_space<vmem>> -> memref<16x768xf32, #tpu.memory_space<vmem>>
    tpu.enqueue_dma source(%dma_start3A_76 : memref<16x768xf32, #tpu.memory_space<vmem>>) target(%dma_start3A_73 : memref<16x768xf32, #tpu.memory_space<hbm>>) target_semaphore(%arg14 : memref<!tpu.dma_semaphore, #tpu.memory_space<semaphore_mem>>)
    %dma_start3A_77 = arith.constant 0 : i32
    %dma_start3A_78 = arith.constant 0 : i32
    %dma_start3A_79 = tpu.memref_slice %arg8[%dma_start3A_77, %dma_start3A_78] : memref<32x768xf32, #tpu.memory_space<vmem>> -> memref<16x768xf32, #tpu.memory_space<vmem>>
    %dma_start3A_80 = arith.constant 64 : i32
    %dma_start3A_81 = tpu.memref_slice %arg5[%dma_start3A_80] : memref<25600xi32, #tpu.memory_space<vmem>> -> memref<16xi32, #tpu.memory_space<vmem>>
    %dma_start3A_82 = arith.constant 0 : i32
    %dma_start3A_83 = arith.constant 0 : i32
    %dma_start3A_84 = tpu.memref_slice %arg3[%dma_start3A_82, %dma_start3A_83] : memref<100000x768xf32, #tpu.memory_space<hbm>> -> memref<100000x768xf32, #tpu.memory_space<hbm>>
    tpu.enqueue_indirect_dma source(%dma_start3A_84 : memref<100000x768xf32, #tpu.memory_space<hbm>>) target(%dma_start3A_79 : memref<16x768xf32, #tpu.memory_space<vmem>>) offsets(%dma_start3A_81 : memref<16xi32, #tpu.memory_space<vmem>>) semaphore(%arg12 : memref<!tpu.dma_semaphore, #tpu.memory_space<semaphore_mem>>)
    %dma_start3A_85 = arith.constant 16 : i32
    %dma_start3A_86 = arith.constant 0 : i32
    %dma_start3A_87 = tpu.memref_slice %arg8[%dma_start3A_85, %dma_start3A_86] : memref<32x768xf32, #tpu.memory_space<vmem>> -> memref<16x768xf32, #tpu.memory_space<vmem>>
    %dma_start3A_88 = arith.constant 80 : i32
    %dma_start3A_89 = tpu.memref_slice %arg5[%dma_start3A_88] : memref<25600xi32, #tpu.memory_space<vmem>> -> memref<16xi32, #tpu.memory_space<vmem>>
    %dma_start3A_90 = arith.constant 0 : i32
    %dma_start3A_91 = arith.constant 0 : i32
    %dma_start3A_92 = tpu.memref_slice %arg3[%dma_start3A_90, %dma_start3A_91] : memref<100000x768xf32, #tpu.memory_space<hbm>> -> memref<100000x768xf32, #tpu.memory_space<hbm>>
    tpu.enqueue_indirect_dma source(%dma_start3A_92 : memref<100000x768xf32, #tpu.memory_space<hbm>>) target(%dma_start3A_87 : memref<16x768xf32, #tpu.memory_space<vmem>>) offsets(%dma_start3A_89 : memref<16xi32, #tpu.memory_space<vmem>>) semaphore(%arg12 : memref<!tpu.dma_semaphore, #tpu.memory_space<semaphore_mem>>)
    %dma_wait3A_93 = arith.constant 0 : i32
    %dma_wait3A_94 = arith.constant 0 : i32
    %dma_wait3A_95 = tpu.memref_slice %arg7[%dma_wait3A_93, %dma_wait3A_94] : memref<32x768xf32, #tpu.memory_space<vmem>> -> memref<16x768xf32, #tpu.memory_space<vmem>>
    %dma_wait3A_96 = arith.constant 32 : i32
    %dma_wait3A_97 = tpu.memref_slice %arg5[%dma_wait3A_96] : memref<25600xi32, #tpu.memory_space<vmem>> -> memref<16xi32, #tpu.memory_space<vmem>>
    %dma_wait3A_98 = arith.constant 0 : i32
    %dma_wait3A_99 = arith.constant 0 : i32
    %dma_wait3A_100 = tpu.memref_slice %arg3[%dma_wait3A_98, %dma_wait3A_99] : memref<100000x768xf32, #tpu.memory_space<hbm>> -> memref<100000x768xf32, #tpu.memory_space<hbm>>
    tpu.wait_indirect_dma semaphore(%arg11 : memref<!tpu.dma_semaphore, #tpu.memory_space<semaphore_mem>>) src(%dma_wait3A_100 : memref<100000x768xf32, #tpu.memory_space<hbm>>) dst(%dma_wait3A_95 : memref<16x768xf32, #tpu.memory_space<vmem>>)
    %dma_wait3A_101 = arith.constant 16 : i32
    %dma_wait3A_102 = arith.constant 0 : i32
    %dma_wait3A_103 = tpu.memref_slice %arg7[%dma_wait3A_101, %dma_wait3A_102] : memref<32x768xf32, #tpu.memory_space<vmem>> -> memref<16x768xf32, #tpu.memory_space<vmem>>
    %dma_wait3A_104 = arith.constant 48 : i32
    %dma_wait3A_105 = tpu.memref_slice %arg5[%dma_wait3A_104] : memref<25600xi32, #tpu.memory_space<vmem>> -> memref<16xi32, #tpu.memory_space<vmem>>
    %dma_wait3A_106 = arith.constant 0 : i32
    %dma_wait3A_107 = arith.constant 0 : i32
    %dma_wait3A_108 = tpu.memref_slice %arg3[%dma_wait3A_106, %dma_wait3A_107] : memref<100000x768xf32, #tpu.memory_space<hbm>> -> memref<100000x768xf32, #tpu.memory_space<hbm>>
    tpu.wait_indirect_dma semaphore(%arg11 : memref<!tpu.dma_semaphore, #tpu.memory_space<semaphore_mem>>) src(%dma_wait3A_108 : memref<100000x768xf32, #tpu.memory_space<hbm>>) dst(%dma_wait3A_103 : memref<16x768xf32, #tpu.memory_space<vmem>>)
    %add3A_109 = arith.constant 32 : i32
    %add3A_110 = arith.addi %mul3A_2, %add3A_109 : i32
    %add3A_111 = arith.constant 0 : i32
    %add3A_112 = arith.addi %add3A_110, %add3A_111 : i32
    %dma_start3A_113 = arith.constant 0 : i32
    %dma_start3A_114 = arith.constant 0 : i32
    %dma_start3A_115 = tpu.memref_slice %arg7[%dma_start3A_113, %dma_start3A_114] : memref<32x768xf32, #tpu.memory_space<vmem>> -> memref<16x768xf32, #tpu.memory_space<vmem>>
    %dma_start3A_116 = arith.constant 0 : i32
    %dma_start3A_117 = tpu.memref_slice %arg4[%add3A_112, %dma_start3A_116] : memref<819200x768xf32, #tpu.memory_space<hbm>> -> memref<16x768xf32, #tpu.memory_space<hbm>>
    %dma_start3A_118 = arith.constant 0 : i32
    %dma_start3A_119 = tpu.memref_slice %arg4[%add3A_112, %dma_start3A_118] : memref<819200x768xf32, #tpu.memory_space<hbm>> -> memref<16x768xf32, #tpu.memory_space<hbm>>
    %dma_start3A_120 = arith.constant 0 : i32
    %dma_start3A_121 = arith.constant 0 : i32
    %dma_start3A_122 = tpu.memref_slice %arg7[%dma_start3A_120, %dma_start3A_121] : memref<32x768xf32, #tpu.memory_space<vmem>> -> memref<16x768xf32, #tpu.memory_space<vmem>>
    tpu.enqueue_dma source(%dma_start3A_122 : memref<16x768xf32, #tpu.memory_space<vmem>>) target(%dma_start3A_119 : memref<16x768xf32, #tpu.memory_space<hbm>>) target_semaphore(%arg15 : memref<!tpu.dma_semaphore, #tpu.memory_space<semaphore_mem>>)
    %add3A_123 = arith.constant 32 : i32
    %add3A_124 = arith.addi %mul3A_2, %add3A_123 : i32
    %add3A_125 = arith.constant 16 : i32
    %add3A_126 = arith.addi %add3A_124, %add3A_125 : i32
    %dma_start3A_127 = arith.constant 16 : i32
    %dma_start3A_128 = arith.constant 0 : i32
    %dma_start3A_129 = tpu.memref_slice %arg7[%dma_start3A_127, %dma_start3A_128] : memref<32x768xf32, #tpu.memory_space<vmem>> -> memref<16x768xf32, #tpu.memory_space<vmem>>
    %dma_start3A_130 = arith.constant 0 : i32
    %dma_start3A_131 = tpu.memref_slice %arg4[%add3A_126, %dma_start3A_130] : memref<819200x768xf32, #tpu.memory_space<hbm>> -> memref<16x768xf32, #tpu.memory_space<hbm>>
    %dma_start3A_132 = arith.constant 0 : i32
    %dma_start3A_133 = tpu.memref_slice %arg4[%add3A_126, %dma_start3A_132] : memref<819200x768xf32, #tpu.memory_space<hbm>> -> memref<16x768xf32, #tpu.memory_space<hbm>>
    %dma_start3A_134 = arith.constant 16 : i32
    %dma_start3A_135 = arith.constant 0 : i32
    %dma_start3A_136 = tpu.memref_slice %arg7[%dma_start3A_134, %dma_start3A_135] : memref<32x768xf32, #tpu.memory_space<vmem>> -> memref<16x768xf32, #tpu.memory_space<vmem>>
    tpu.enqueue_dma source(%dma_start3A_136 : memref<16x768xf32, #tpu.memory_space<vmem>>) target(%dma_start3A_133 : memref<16x768xf32, #tpu.memory_space<hbm>>) target_semaphore(%arg15 : memref<!tpu.dma_semaphore, #tpu.memory_space<semaphore_mem>>)
    %dma_start3A_137 = arith.constant 0 : i32
    %dma_start3A_138 = arith.constant 0 : i32
    %dma_start3A_139 = tpu.memref_slice %arg9[%dma_start3A_137, %dma_start3A_138] : memref<32x768xf32, #tpu.memory_space<vmem>> -> memref<16x768xf32, #tpu.memory_space<vmem>>
    %dma_start3A_140 = arith.constant 96 : i32
    %dma_start3A_141 = tpu.memref_slice %arg5[%dma_start3A_140] : memref<25600xi32, #tpu.memory_space<vmem>> -> memref<16xi32, #tpu.memory_space<vmem>>
    %dma_start3A_142 = arith.constant 0 : i32
    %dma_start3A_143 = arith.constant 0 : i32
    %dma_start3A_144 = tpu.memref_slice %arg3[%dma_start3A_142, %dma_start3A_143] : memref<100000x768xf32, #tpu.memory_space<hbm>> -> memref<100000x768xf32, #tpu.memory_space<hbm>>
    tpu.enqueue_indirect_dma source(%dma_start3A_144 : memref<100000x768xf32, #tpu.memory_space<hbm>>) target(%dma_start3A_139 : memref<16x768xf32, #tpu.memory_space<vmem>>) offsets(%dma_start3A_141 : memref<16xi32, #tpu.memory_space<vmem>>) semaphore(%arg13 : memref<!tpu.dma_semaphore, #tpu.memory_space<semaphore_mem>>)
    %dma_start3A_145 = arith.constant 16 : i32
    %dma_start3A_146 = arith.constant 0 : i32
    %dma_start3A_147 = tpu.memref_slice %arg9[%dma_start3A_145, %dma_start3A_146] : memref<32x768xf32, #tpu.memory_space<vmem>> -> memref<16x768xf32, #tpu.memory_space<vmem>>
    %dma_start3A_148 = arith.constant 112 : i32
    %dma_start3A_149 = tpu.memref_slice %arg5[%dma_start3A_148] : memref<25600xi32, #tpu.memory_space<vmem>> -> memref<16xi32, #tpu.memory_space<vmem>>
    %dma_start3A_150 = arith.constant 0 : i32
    %dma_start3A_151 = arith.constant 0 : i32
    %dma_start3A_152 = tpu.memref_slice %arg3[%dma_start3A_150, %dma_start3A_151] : memref<100000x768xf32, #tpu.memory_space<hbm>> -> memref<100000x768xf32, #tpu.memory_space<hbm>>
    tpu.enqueue_indirect_dma source(%dma_start3A_152 : memref<100000x768xf32, #tpu.memory_space<hbm>>) target(%dma_start3A_147 : memref<16x768xf32, #tpu.memory_space<vmem>>) offsets(%dma_start3A_149 : memref<16xi32, #tpu.memory_space<vmem>>) semaphore(%arg13 : memref<!tpu.dma_semaphore, #tpu.memory_space<semaphore_mem>>)
    %scan3A = arith.constant 0 : i32
    %scan3A_153 = arith.constant 0 : i32
    %scan3A_154 = arith.constant 199 : i32
    %scan3A_155 = arith.addi %scan3A_153, %scan3A_154 : i32
    %scan3A_156 = arith.constant 1 : i32
    scf.for %scan3A_358 = %scan3A_153 to %scan3A_155 step %scan3A_156  : i32 {
      %mul3A_359 = arith.constant 4 : i32
      %mul3A_360 = arith.muli %scan3A_358, %mul3A_359 : i32
      %add3A_361 = arith.constant 2 : i32
      %add3A_362 = arith.addi %add3A_361, %mul3A_360 : i32
      %add3A_363 = arith.constant 0 : i32
      %add3A_364 = arith.addi %add3A_362, %add3A_363 : i32
      %mul3A_365 = arith.constant 32 : i32
      %mul3A_366 = arith.muli %add3A_364, %mul3A_365 : i32
      %add3A_367 = arith.constant 0 : i32
      %add3A_368 = arith.addi %mul3A_366, %add3A_367 : i32
      %dma_wait3A_369 = arith.constant 0 : i32
      %dma_wait3A_370 = arith.constant 0 : i32
      %dma_wait3A_371 = tpu.memref_slice %arg8[%dma_wait3A_369, %dma_wait3A_370] : memref<32x768xf32, #tpu.memory_space<vmem>> -> memref<16x768xf32, #tpu.memory_space<vmem>>
      %dma_wait3A_372 = tpu.memref_slice %arg5[%add3A_368] : memref<25600xi32, #tpu.memory_space<vmem>> -> memref<16xi32, #tpu.memory_space<vmem>>
      %dma_wait3A_373 = arith.constant 0 : i32
      %dma_wait3A_374 = arith.constant 0 : i32
      %dma_wait3A_375 = tpu.memref_slice %arg3[%dma_wait3A_373, %dma_wait3A_374] : memref<100000x768xf32, #tpu.memory_space<hbm>> -> memref<100000x768xf32, #tpu.memory_space<hbm>>
      tpu.wait_indirect_dma semaphore(%arg12 : memref<!tpu.dma_semaphore, #tpu.memory_space<semaphore_mem>>) src(%dma_wait3A_375 : memref<100000x768xf32, #tpu.memory_space<hbm>>) dst(%dma_wait3A_371 : memref<16x768xf32, #tpu.memory_space<vmem>>)
      %mul3A_376 = arith.constant 32 : i32
      %mul3A_377 = arith.muli %add3A_364, %mul3A_376 : i32
      %add3A_378 = arith.constant 16 : i32
      %add3A_379 = arith.addi %mul3A_377, %add3A_378 : i32
      %dma_wait3A_380 = arith.constant 16 : i32
      %dma_wait3A_381 = arith.constant 0 : i32
      %dma_wait3A_382 = tpu.memref_slice %arg8[%dma_wait3A_380, %dma_wait3A_381] : memref<32x768xf32, #tpu.memory_space<vmem>> -> memref<16x768xf32, #tpu.memory_space<vmem>>
      %dma_wait3A_383 = tpu.memref_slice %arg5[%add3A_379] : memref<25600xi32, #tpu.memory_space<vmem>> -> memref<16xi32, #tpu.memory_space<vmem>>
      %dma_wait3A_384 = arith.constant 0 : i32
      %dma_wait3A_385 = arith.constant 0 : i32
      %dma_wait3A_386 = tpu.memref_slice %arg3[%dma_wait3A_384, %dma_wait3A_385] : memref<100000x768xf32, #tpu.memory_space<hbm>> -> memref<100000x768xf32, #tpu.memory_space<hbm>>
      tpu.wait_indirect_dma semaphore(%arg12 : memref<!tpu.dma_semaphore, #tpu.memory_space<semaphore_mem>>) src(%dma_wait3A_386 : memref<100000x768xf32, #tpu.memory_space<hbm>>) dst(%dma_wait3A_382 : memref<16x768xf32, #tpu.memory_space<vmem>>)
      %mul3A_387 = arith.constant 32 : i32
      %mul3A_388 = arith.muli %add3A_364, %mul3A_387 : i32
      %add3A_389 = arith.addi %mul3A_2, %mul3A_388 : i32
      %add3A_390 = arith.constant 0 : i32
      %add3A_391 = arith.addi %add3A_389, %add3A_390 : i32
      %dma_start3A_392 = arith.constant 0 : i32
      %dma_start3A_393 = arith.constant 0 : i32
      %dma_start3A_394 = tpu.memref_slice %arg8[%dma_start3A_392, %dma_start3A_393] : memref<32x768xf32, #tpu.memory_space<vmem>> -> memref<16x768xf32, #tpu.memory_space<vmem>>
      %dma_start3A_395 = arith.constant 0 : i32
      %dma_start3A_396 = tpu.memref_slice %arg4[%add3A_391, %dma_start3A_395] : memref<819200x768xf32, #tpu.memory_space<hbm>> -> memref<16x768xf32, #tpu.memory_space<hbm>>
      %dma_start3A_397 = arith.constant 0 : i32
      %dma_start3A_398 = tpu.memref_slice %arg4[%add3A_391, %dma_start3A_397] : memref<819200x768xf32, #tpu.memory_space<hbm>> -> memref<16x768xf32, #tpu.memory_space<hbm>>
      %dma_start3A_399 = arith.constant 0 : i32
      %dma_start3A_400 = arith.constant 0 : i32
      %dma_start3A_401 = tpu.memref_slice %arg8[%dma_start3A_399, %dma_start3A_400] : memref<32x768xf32, #tpu.memory_space<vmem>> -> memref<16x768xf32, #tpu.memory_space<vmem>>
      tpu.enqueue_dma source(%dma_start3A_401 : memref<16x768xf32, #tpu.memory_space<vmem>>) target(%dma_start3A_398 : memref<16x768xf32, #tpu.memory_space<hbm>>) target_semaphore(%arg16 : memref<!tpu.dma_semaphore, #tpu.memory_space<semaphore_mem>>)
      %mul3A_402 = arith.constant 32 : i32
      %mul3A_403 = arith.muli %add3A_364, %mul3A_402 : i32
      %add3A_404 = arith.addi %mul3A_2, %mul3A_403 : i32
      %add3A_405 = arith.constant 16 : i32
      %add3A_406 = arith.addi %add3A_404, %add3A_405 : i32
      %dma_start3A_407 = arith.constant 16 : i32
      %dma_start3A_408 = arith.constant 0 : i32
      %dma_start3A_409 = tpu.memref_slice %arg8[%dma_start3A_407, %dma_start3A_408] : memref<32x768xf32, #tpu.memory_space<vmem>> -> memref<16x768xf32, #tpu.memory_space<vmem>>
      %dma_start3A_410 = arith.constant 0 : i32
      %dma_start3A_411 = tpu.memref_slice %arg4[%add3A_406, %dma_start3A_410] : memref<819200x768xf32, #tpu.memory_space<hbm>> -> memref<16x768xf32, #tpu.memory_space<hbm>>
      %dma_start3A_412 = arith.constant 0 : i32
      %dma_start3A_413 = tpu.memref_slice %arg4[%add3A_406, %dma_start3A_412] : memref<819200x768xf32, #tpu.memory_space<hbm>> -> memref<16x768xf32, #tpu.memory_space<hbm>>
      %dma_start3A_414 = arith.constant 16 : i32
      %dma_start3A_415 = arith.constant 0 : i32
      %dma_start3A_416 = tpu.memref_slice %arg8[%dma_start3A_414, %dma_start3A_415] : memref<32x768xf32, #tpu.memory_space<vmem>> -> memref<16x768xf32, #tpu.memory_space<vmem>>
      tpu.enqueue_dma source(%dma_start3A_416 : memref<16x768xf32, #tpu.memory_space<vmem>>) target(%dma_start3A_413 : memref<16x768xf32, #tpu.memory_space<hbm>>) target_semaphore(%arg16 : memref<!tpu.dma_semaphore, #tpu.memory_space<semaphore_mem>>)
      %sub3A = arith.constant 2 : i32
      %sub3A_417 = arith.subi %add3A_364, %sub3A : i32
      %mul3A_418 = arith.constant 32 : i32
      %mul3A_419 = arith.muli %sub3A_417, %mul3A_418 : i32
      %add3A_420 = arith.addi %mul3A_2, %mul3A_419 : i32
      %add3A_421 = arith.constant 0 : i32
      %add3A_422 = arith.addi %add3A_420, %add3A_421 : i32
      %dma_wait3A_423 = arith.constant 0 : i32
      %dma_wait3A_424 = arith.constant 0 : i32
      %dma_wait3A_425 = tpu.memref_slice %arg6[%dma_wait3A_423, %dma_wait3A_424] : memref<32x768xf32, #tpu.memory_space<vmem>> -> memref<16x768xf32, #tpu.memory_space<vmem>>
      %dma_wait3A_426 = arith.constant 0 : i32
      %dma_wait3A_427 = tpu.memref_slice %arg4[%add3A_422, %dma_wait3A_426] : memref<819200x768xf32, #tpu.memory_space<hbm>> -> memref<16x768xf32, #tpu.memory_space<hbm>>
      %dma_wait3A_428 = arith.constant 0 : i32
      %dma_wait3A_429 = tpu.memref_slice %arg4[%add3A_422, %dma_wait3A_428] : memref<819200x768xf32, #tpu.memory_space<hbm>> -> memref<16x768xf32, #tpu.memory_space<hbm>>
      %dma_wait3A_430 = arith.constant 0 : i32
      %dma_wait3A_431 = arith.constant 0 : i32
      %dma_wait3A_432 = tpu.memref_slice %arg6[%dma_wait3A_430, %dma_wait3A_431] : memref<32x768xf32, #tpu.memory_space<vmem>> -> memref<16x768xf32, #tpu.memory_space<vmem>>
      tpu.wait_dma2 semaphore(%arg14 : memref<!tpu.dma_semaphore, #tpu.memory_space<semaphore_mem>>) src(%dma_wait3A_432 : memref<16x768xf32, #tpu.memory_space<vmem>>) dst(%dma_wait3A_429 : memref<16x768xf32, #tpu.memory_space<hbm>>)
      %mul3A_433 = arith.constant 32 : i32
      %mul3A_434 = arith.muli %sub3A_417, %mul3A_433 : i32
      %add3A_435 = arith.addi %mul3A_2, %mul3A_434 : i32
      %add3A_436 = arith.constant 16 : i32
      %add3A_437 = arith.addi %add3A_435, %add3A_436 : i32
      %dma_wait3A_438 = arith.constant 16 : i32
      %dma_wait3A_439 = arith.constant 0 : i32
      %dma_wait3A_440 = tpu.memref_slice %arg6[%dma_wait3A_438, %dma_wait3A_439] : memref<32x768xf32, #tpu.memory_space<vmem>> -> memref<16x768xf32, #tpu.memory_space<vmem>>
      %dma_wait3A_441 = arith.constant 0 : i32
      %dma_wait3A_442 = tpu.memref_slice %arg4[%add3A_437, %dma_wait3A_441] : memref<819200x768xf32, #tpu.memory_space<hbm>> -> memref<16x768xf32, #tpu.memory_space<hbm>>
      %dma_wait3A_443 = arith.constant 0 : i32
      %dma_wait3A_444 = tpu.memref_slice %arg4[%add3A_437, %dma_wait3A_443] : memref<819200x768xf32, #tpu.memory_space<hbm>> -> memref<16x768xf32, #tpu.memory_space<hbm>>
      %dma_wait3A_445 = arith.constant 16 : i32
      %dma_wait3A_446 = arith.constant 0 : i32
      %dma_wait3A_447 = tpu.memref_slice %arg6[%dma_wait3A_445, %dma_wait3A_446] : memref<32x768xf32, #tpu.memory_space<vmem>> -> memref<16x768xf32, #tpu.memory_space<vmem>>
      tpu.wait_dma2 semaphore(%arg14 : memref<!tpu.dma_semaphore, #tpu.memory_space<semaphore_mem>>) src(%dma_wait3A_447 : memref<16x768xf32, #tpu.memory_space<vmem>>) dst(%dma_wait3A_444 : memref<16x768xf32, #tpu.memory_space<hbm>>)
      %add3A_448 = arith.constant 2 : i32
      %add3A_449 = arith.addi %add3A_364, %add3A_448 : i32
      %mul3A_450 = arith.constant 32 : i32
      %mul3A_451 = arith.muli %add3A_449, %mul3A_450 : i32
      %add3A_452 = arith.constant 0 : i32
      %add3A_453 = arith.addi %mul3A_451, %add3A_452 : i32
      %dma_start3A_454 = arith.constant 0 : i32
      %dma_start3A_455 = arith.constant 0 : i32
      %dma_start3A_456 = tpu.memref_slice %arg6[%dma_start3A_454, %dma_start3A_455] : memref<32x768xf32, #tpu.memory_space<vmem>> -> memref<16x768xf32, #tpu.memory_space<vmem>>
      %dma_start3A_457 = tpu.memref_slice %arg5[%add3A_453] : memref<25600xi32, #tpu.memory_space<vmem>> -> memref<16xi32, #tpu.memory_space<vmem>>
      %dma_start3A_458 = arith.constant 0 : i32
      %dma_start3A_459 = arith.constant 0 : i32
      %dma_start3A_460 = tpu.memref_slice %arg3[%dma_start3A_458, %dma_start3A_459] : memref<100000x768xf32, #tpu.memory_space<hbm>> -> memref<100000x768xf32, #tpu.memory_space<hbm>>
      tpu.enqueue_indirect_dma source(%dma_start3A_460 : memref<100000x768xf32, #tpu.memory_space<hbm>>) target(%dma_start3A_456 : memref<16x768xf32, #tpu.memory_space<vmem>>) offsets(%dma_start3A_457 : memref<16xi32, #tpu.memory_space<vmem>>) semaphore(%arg10 : memref<!tpu.dma_semaphore, #tpu.memory_space<semaphore_mem>>)
      %mul3A_461 = arith.constant 32 : i32
      %mul3A_462 = arith.muli %add3A_449, %mul3A_461 : i32
      %add3A_463 = arith.constant 16 : i32
      %add3A_464 = arith.addi %mul3A_462, %add3A_463 : i32
      %dma_start3A_465 = arith.constant 16 : i32
      %dma_start3A_466 = arith.constant 0 : i32
      %dma_start3A_467 = tpu.memref_slice %arg6[%dma_start3A_465, %dma_start3A_466] : memref<32x768xf32, #tpu.memory_space<vmem>> -> memref<16x768xf32, #tpu.memory_space<vmem>>
      %dma_start3A_468 = tpu.memref_slice %arg5[%add3A_464] : memref<25600xi32, #tpu.memory_space<vmem>> -> memref<16xi32, #tpu.memory_space<vmem>>
      %dma_start3A_469 = arith.constant 0 : i32
      %dma_start3A_470 = arith.constant 0 : i32
      %dma_start3A_471 = tpu.memref_slice %arg3[%dma_start3A_469, %dma_start3A_470] : memref<100000x768xf32, #tpu.memory_space<hbm>> -> memref<100000x768xf32, #tpu.memory_space<hbm>>
      tpu.enqueue_indirect_dma source(%dma_start3A_471 : memref<100000x768xf32, #tpu.memory_space<hbm>>) target(%dma_start3A_467 : memref<16x768xf32, #tpu.memory_space<vmem>>) offsets(%dma_start3A_468 : memref<16xi32, #tpu.memory_space<vmem>>) semaphore(%arg10 : memref<!tpu.dma_semaphore, #tpu.memory_space<semaphore_mem>>)
      %add3A_472 = arith.constant 1 : i32
      %add3A_473 = arith.addi %add3A_362, %add3A_472 : i32
      %mul3A_474 = arith.constant 32 : i32
      %mul3A_475 = arith.muli %add3A_473, %mul3A_474 : i32
      %add3A_476 = arith.constant 0 : i32
      %add3A_477 = arith.addi %mul3A_475, %add3A_476 : i32
      %dma_wait3A_478 = arith.constant 0 : i32
      %dma_wait3A_479 = arith.constant 0 : i32
      %dma_wait3A_480 = tpu.memref_slice %arg9[%dma_wait3A_478, %dma_wait3A_479] : memref<32x768xf32, #tpu.memory_space<vmem>> -> memref<16x768xf32, #tpu.memory_space<vmem>>
      %dma_wait3A_481 = tpu.memref_slice %arg5[%add3A_477] : memref<25600xi32, #tpu.memory_space<vmem>> -> memref<16xi32, #tpu.memory_space<vmem>>
      %dma_wait3A_482 = arith.constant 0 : i32
      %dma_wait3A_483 = arith.constant 0 : i32
      %dma_wait3A_484 = tpu.memref_slice %arg3[%dma_wait3A_482, %dma_wait3A_483] : memref<100000x768xf32, #tpu.memory_space<hbm>> -> memref<100000x768xf32, #tpu.memory_space<hbm>>
      tpu.wait_indirect_dma semaphore(%arg13 : memref<!tpu.dma_semaphore, #tpu.memory_space<semaphore_mem>>) src(%dma_wait3A_484 : memref<100000x768xf32, #tpu.memory_space<hbm>>) dst(%dma_wait3A_480 : memref<16x768xf32, #tpu.memory_space<vmem>>)
      %mul3A_485 = arith.constant 32 : i32
      %mul3A_486 = arith.muli %add3A_473, %mul3A_485 : i32
      %add3A_487 = arith.constant 16 : i32
      %add3A_488 = arith.addi %mul3A_486, %add3A_487 : i32
      %dma_wait3A_489 = arith.constant 16 : i32
      %dma_wait3A_490 = arith.constant 0 : i32
      %dma_wait3A_491 = tpu.memref_slice %arg9[%dma_wait3A_489, %dma_wait3A_490] : memref<32x768xf32, #tpu.memory_space<vmem>> -> memref<16x768xf32, #tpu.memory_space<vmem>>
      %dma_wait3A_492 = tpu.memref_slice %arg5[%add3A_488] : memref<25600xi32, #tpu.memory_space<vmem>> -> memref<16xi32, #tpu.memory_space<vmem>>
      %dma_wait3A_493 = arith.constant 0 : i32
      %dma_wait3A_494 = arith.constant 0 : i32
      %dma_wait3A_495 = tpu.memref_slice %arg3[%dma_wait3A_493, %dma_wait3A_494] : memref<100000x768xf32, #tpu.memory_space<hbm>> -> memref<100000x768xf32, #tpu.memory_space<hbm>>
      tpu.wait_indirect_dma semaphore(%arg13 : memref<!tpu.dma_semaphore, #tpu.memory_space<semaphore_mem>>) src(%dma_wait3A_495 : memref<100000x768xf32, #tpu.memory_space<hbm>>) dst(%dma_wait3A_491 : memref<16x768xf32, #tpu.memory_space<vmem>>)
      %mul3A_496 = arith.constant 32 : i32
      %mul3A_497 = arith.muli %add3A_473, %mul3A_496 : i32
      %add3A_498 = arith.addi %mul3A_2, %mul3A_497 : i32
      %add3A_499 = arith.constant 0 : i32
      %add3A_500 = arith.addi %add3A_498, %add3A_499 : i32
      %dma_start3A_501 = arith.constant 0 : i32
      %dma_start3A_502 = arith.constant 0 : i32
      %dma_start3A_503 = tpu.memref_slice %arg9[%dma_start3A_501, %dma_start3A_502] : memref<32x768xf32, #tpu.memory_space<vmem>> -> memref<16x768xf32, #tpu.memory_space<vmem>>
      %dma_start3A_504 = arith.constant 0 : i32
      %dma_start3A_505 = tpu.memref_slice %arg4[%add3A_500, %dma_start3A_504] : memref<819200x768xf32, #tpu.memory_space<hbm>> -> memref<16x768xf32, #tpu.memory_space<hbm>>
      %dma_start3A_506 = arith.constant 0 : i32
      %dma_start3A_507 = tpu.memref_slice %arg4[%add3A_500, %dma_start3A_506] : memref<819200x768xf32, #tpu.memory_space<hbm>> -> memref<16x768xf32, #tpu.memory_space<hbm>>
      %dma_start3A_508 = arith.constant 0 : i32
      %dma_start3A_509 = arith.constant 0 : i32
      %dma_start3A_510 = tpu.memref_slice %arg9[%dma_start3A_508, %dma_start3A_509] : memref<32x768xf32, #tpu.memory_space<vmem>> -> memref<16x768xf32, #tpu.memory_space<vmem>>
      tpu.enqueue_dma source(%dma_start3A_510 : memref<16x768xf32, #tpu.memory_space<vmem>>) target(%dma_start3A_507 : memref<16x768xf32, #tpu.memory_space<hbm>>) target_semaphore(%arg17 : memref<!tpu.dma_semaphore, #tpu.memory_space<semaphore_mem>>)
      %mul3A_511 = arith.constant 32 : i32
      %mul3A_512 = arith.muli %add3A_473, %mul3A_511 : i32
      %add3A_513 = arith.addi %mul3A_2, %mul3A_512 : i32
      %add3A_514 = arith.constant 16 : i32
      %add3A_515 = arith.addi %add3A_513, %add3A_514 : i32
      %dma_start3A_516 = arith.constant 16 : i32
      %dma_start3A_517 = arith.constant 0 : i32
      %dma_start3A_518 = tpu.memref_slice %arg9[%dma_start3A_516, %dma_start3A_517] : memref<32x768xf32, #tpu.memory_space<vmem>> -> memref<16x768xf32, #tpu.memory_space<vmem>>
      %dma_start3A_519 = arith.constant 0 : i32
      %dma_start3A_520 = tpu.memref_slice %arg4[%add3A_515, %dma_start3A_519] : memref<819200x768xf32, #tpu.memory_space<hbm>> -> memref<16x768xf32, #tpu.memory_space<hbm>>
      %dma_start3A_521 = arith.constant 0 : i32
      %dma_start3A_522 = tpu.memref_slice %arg4[%add3A_515, %dma_start3A_521] : memref<819200x768xf32, #tpu.memory_space<hbm>> -> memref<16x768xf32, #tpu.memory_space<hbm>>
      %dma_start3A_523 = arith.constant 16 : i32
      %dma_start3A_524 = arith.constant 0 : i32
      %dma_start3A_525 = tpu.memref_slice %arg9[%dma_start3A_523, %dma_start3A_524] : memref<32x768xf32, #tpu.memory_space<vmem>> -> memref<16x768xf32, #tpu.memory_space<vmem>>
      tpu.enqueue_dma source(%dma_start3A_525 : memref<16x768xf32, #tpu.memory_space<vmem>>) target(%dma_start3A_522 : memref<16x768xf32, #tpu.memory_space<hbm>>) target_semaphore(%arg17 : memref<!tpu.dma_semaphore, #tpu.memory_space<semaphore_mem>>)
      %sub3A_526 = arith.constant 2 : i32
      %sub3A_527 = arith.subi %add3A_473, %sub3A_526 : i32
      %mul3A_528 = arith.constant 32 : i32
      %mul3A_529 = arith.muli %sub3A_527, %mul3A_528 : i32
      %add3A_530 = arith.addi %mul3A_2, %mul3A_529 : i32
      %add3A_531 = arith.constant 0 : i32
      %add3A_532 = arith.addi %add3A_530, %add3A_531 : i32
      %dma_wait3A_533 = arith.constant 0 : i32
      %dma_wait3A_534 = arith.constant 0 : i32
      %dma_wait3A_535 = tpu.memref_slice %arg7[%dma_wait3A_533, %dma_wait3A_534] : memref<32x768xf32, #tpu.memory_space<vmem>> -> memref<16x768xf32, #tpu.memory_space<vmem>>
      %dma_wait3A_536 = arith.constant 0 : i32
      %dma_wait3A_537 = tpu.memref_slice %arg4[%add3A_532, %dma_wait3A_536] : memref<819200x768xf32, #tpu.memory_space<hbm>> -> memref<16x768xf32, #tpu.memory_space<hbm>>
      %dma_wait3A_538 = arith.constant 0 : i32
      %dma_wait3A_539 = tpu.memref_slice %arg4[%add3A_532, %dma_wait3A_538] : memref<819200x768xf32, #tpu.memory_space<hbm>> -> memref<16x768xf32, #tpu.memory_space<hbm>>
      %dma_wait3A_540 = arith.constant 0 : i32
      %dma_wait3A_541 = arith.constant 0 : i32
      %dma_wait3A_542 = tpu.memref_slice %arg7[%dma_wait3A_540, %dma_wait3A_541] : memref<32x768xf32, #tpu.memory_space<vmem>> -> memref<16x768xf32, #tpu.memory_space<vmem>>
      tpu.wait_dma2 semaphore(%arg15 : memref<!tpu.dma_semaphore, #tpu.memory_space<semaphore_mem>>) src(%dma_wait3A_542 : memref<16x768xf32, #tpu.memory_space<vmem>>) dst(%dma_wait3A_539 : memref<16x768xf32, #tpu.memory_space<hbm>>)
      %mul3A_543 = arith.constant 32 : i32
      %mul3A_544 = arith.muli %sub3A_527, %mul3A_543 : i32
      %add3A_545 = arith.addi %mul3A_2, %mul3A_544 : i32
      %add3A_546 = arith.constant 16 : i32
      %add3A_547 = arith.addi %add3A_545, %add3A_546 : i32
      %dma_wait3A_548 = arith.constant 16 : i32
      %dma_wait3A_549 = arith.constant 0 : i32
      %dma_wait3A_550 = tpu.memref_slice %arg7[%dma_wait3A_548, %dma_wait3A_549] : memref<32x768xf32, #tpu.memory_space<vmem>> -> memref<16x768xf32, #tpu.memory_space<vmem>>
      %dma_wait3A_551 = arith.constant 0 : i32
      %dma_wait3A_552 = tpu.memref_slice %arg4[%add3A_547, %dma_wait3A_551] : memref<819200x768xf32, #tpu.memory_space<hbm>> -> memref<16x768xf32, #tpu.memory_space<hbm>>
      %dma_wait3A_553 = arith.constant 0 : i32
      %dma_wait3A_554 = tpu.memref_slice %arg4[%add3A_547, %dma_wait3A_553] : memref<819200x768xf32, #tpu.memory_space<hbm>> -> memref<16x768xf32, #tpu.memory_space<hbm>>
      %dma_wait3A_555 = arith.constant 16 : i32
      %dma_wait3A_556 = arith.constant 0 : i32
      %dma_wait3A_557 = tpu.memref_slice %arg7[%dma_wait3A_555, %dma_wait3A_556] : memref<32x768xf32, #tpu.memory_space<vmem>> -> memref<16x768xf32, #tpu.memory_space<vmem>>
      tpu.wait_dma2 semaphore(%arg15 : memref<!tpu.dma_semaphore, #tpu.memory_space<semaphore_mem>>) src(%dma_wait3A_557 : memref<16x768xf32, #tpu.memory_space<vmem>>) dst(%dma_wait3A_554 : memref<16x768xf32, #tpu.memory_space<hbm>>)
      %add3A_558 = arith.constant 2 : i32
      %add3A_559 = arith.addi %add3A_473, %add3A_558 : i32
      %mul3A_560 = arith.constant 32 : i32
      %mul3A_561 = arith.muli %add3A_559, %mul3A_560 : i32
      %add3A_562 = arith.constant 0 : i32
      %add3A_563 = arith.addi %mul3A_561, %add3A_562 : i32
      %dma_start3A_564 = arith.constant 0 : i32
      %dma_start3A_565 = arith.constant 0 : i32
      %dma_start3A_566 = tpu.memref_slice %arg7[%dma_start3A_564, %dma_start3A_565] : memref<32x768xf32, #tpu.memory_space<vmem>> -> memref<16x768xf32, #tpu.memory_space<vmem>>
      %dma_start3A_567 = tpu.memref_slice %arg5[%add3A_563] : memref<25600xi32, #tpu.memory_space<vmem>> -> memref<16xi32, #tpu.memory_space<vmem>>
      %dma_start3A_568 = arith.constant 0 : i32
      %dma_start3A_569 = arith.constant 0 : i32
      %dma_start3A_570 = tpu.memref_slice %arg3[%dma_start3A_568, %dma_start3A_569] : memref<100000x768xf32, #tpu.memory_space<hbm>> -> memref<100000x768xf32, #tpu.memory_space<hbm>>
      tpu.enqueue_indirect_dma source(%dma_start3A_570 : memref<100000x768xf32, #tpu.memory_space<hbm>>) target(%dma_start3A_566 : memref<16x768xf32, #tpu.memory_space<vmem>>) offsets(%dma_start3A_567 : memref<16xi32, #tpu.memory_space<vmem>>) semaphore(%arg11 : memref<!tpu.dma_semaphore, #tpu.memory_space<semaphore_mem>>)
      %mul3A_571 = arith.constant 32 : i32
      %mul3A_572 = arith.muli %add3A_559, %mul3A_571 : i32
      %add3A_573 = arith.constant 16 : i32
      %add3A_574 = arith.addi %mul3A_572, %add3A_573 : i32
      %dma_start3A_575 = arith.constant 16 : i32
      %dma_start3A_576 = arith.constant 0 : i32
      %dma_start3A_577 = tpu.memref_slice %arg7[%dma_start3A_575, %dma_start3A_576] : memref<32x768xf32, #tpu.memory_space<vmem>> -> memref<16x768xf32, #tpu.memory_space<vmem>>
      %dma_start3A_578 = tpu.memref_slice %arg5[%add3A_574] : memref<25600xi32, #tpu.memory_space<vmem>> -> memref<16xi32, #tpu.memory_space<vmem>>
      %dma_start3A_579 = arith.constant 0 : i32
      %dma_start3A_580 = arith.constant 0 : i32
      %dma_start3A_581 = tpu.memref_slice %arg3[%dma_start3A_579, %dma_start3A_580] : memref<100000x768xf32, #tpu.memory_space<hbm>> -> memref<100000x768xf32, #tpu.memory_space<hbm>>
      tpu.enqueue_indirect_dma source(%dma_start3A_581 : memref<100000x768xf32, #tpu.memory_space<hbm>>) target(%dma_start3A_577 : memref<16x768xf32, #tpu.memory_space<vmem>>) offsets(%dma_start3A_578 : memref<16xi32, #tpu.memory_space<vmem>>) semaphore(%arg11 : memref<!tpu.dma_semaphore, #tpu.memory_space<semaphore_mem>>)
      %add3A_582 = arith.constant 2 : i32
      %add3A_583 = arith.addi %add3A_362, %add3A_582 : i32
      %mul3A_584 = arith.constant 32 : i32
      %mul3A_585 = arith.muli %add3A_583, %mul3A_584 : i32
      %add3A_586 = arith.constant 0 : i32
      %add3A_587 = arith.addi %mul3A_585, %add3A_586 : i32
      %dma_wait3A_588 = arith.constant 0 : i32
      %dma_wait3A_589 = arith.constant 0 : i32
      %dma_wait3A_590 = tpu.memref_slice %arg6[%dma_wait3A_588, %dma_wait3A_589] : memref<32x768xf32, #tpu.memory_space<vmem>> -> memref<16x768xf32, #tpu.memory_space<vmem>>
      %dma_wait3A_591 = tpu.memref_slice %arg5[%add3A_587] : memref<25600xi32, #tpu.memory_space<vmem>> -> memref<16xi32, #tpu.memory_space<vmem>>
      %dma_wait3A_592 = arith.constant 0 : i32
      %dma_wait3A_593 = arith.constant 0 : i32
      %dma_wait3A_594 = tpu.memref_slice %arg3[%dma_wait3A_592, %dma_wait3A_593] : memref<100000x768xf32, #tpu.memory_space<hbm>> -> memref<100000x768xf32, #tpu.memory_space<hbm>>
      tpu.wait_indirect_dma semaphore(%arg10 : memref<!tpu.dma_semaphore, #tpu.memory_space<semaphore_mem>>) src(%dma_wait3A_594 : memref<100000x768xf32, #tpu.memory_space<hbm>>) dst(%dma_wait3A_590 : memref<16x768xf32, #tpu.memory_space<vmem>>)
      %mul3A_595 = arith.constant 32 : i32
      %mul3A_596 = arith.muli %add3A_583, %mul3A_595 : i32
      %add3A_597 = arith.constant 16 : i32
      %add3A_598 = arith.addi %mul3A_596, %add3A_597 : i32
      %dma_wait3A_599 = arith.constant 16 : i32
      %dma_wait3A_600 = arith.constant 0 : i32
      %dma_wait3A_601 = tpu.memref_slice %arg6[%dma_wait3A_599, %dma_wait3A_600] : memref<32x768xf32, #tpu.memory_space<vmem>> -> memref<16x768xf32, #tpu.memory_space<vmem>>
      %dma_wait3A_602 = tpu.memref_slice %arg5[%add3A_598] : memref<25600xi32, #tpu.memory_space<vmem>> -> memref<16xi32, #tpu.memory_space<vmem>>
      %dma_wait3A_603 = arith.constant 0 : i32
      %dma_wait3A_604 = arith.constant 0 : i32
      %dma_wait3A_605 = tpu.memref_slice %arg3[%dma_wait3A_603, %dma_wait3A_604] : memref<100000x768xf32, #tpu.memory_space<hbm>> -> memref<100000x768xf32, #tpu.memory_space<hbm>>
      tpu.wait_indirect_dma semaphore(%arg10 : memref<!tpu.dma_semaphore, #tpu.memory_space<semaphore_mem>>) src(%dma_wait3A_605 : memref<100000x768xf32, #tpu.memory_space<hbm>>) dst(%dma_wait3A_601 : memref<16x768xf32, #tpu.memory_space<vmem>>)
      %mul3A_606 = arith.constant 32 : i32
      %mul3A_607 = arith.muli %add3A_583, %mul3A_606 : i32
      %add3A_608 = arith.addi %mul3A_2, %mul3A_607 : i32
      %add3A_609 = arith.constant 0 : i32
      %add3A_610 = arith.addi %add3A_608, %add3A_609 : i32
      %dma_start3A_611 = arith.constant 0 : i32
      %dma_start3A_612 = arith.constant 0 : i32
      %dma_start3A_613 = tpu.memref_slice %arg6[%dma_start3A_611, %dma_start3A_612] : memref<32x768xf32, #tpu.memory_space<vmem>> -> memref<16x768xf32, #tpu.memory_space<vmem>>
      %dma_start3A_614 = arith.constant 0 : i32
      %dma_start3A_615 = tpu.memref_slice %arg4[%add3A_610, %dma_start3A_614] : memref<819200x768xf32, #tpu.memory_space<hbm>> -> memref<16x768xf32, #tpu.memory_space<hbm>>
      %dma_start3A_616 = arith.constant 0 : i32
      %dma_start3A_617 = tpu.memref_slice %arg4[%add3A_610, %dma_start3A_616] : memref<819200x768xf32, #tpu.memory_space<hbm>> -> memref<16x768xf32, #tpu.memory_space<hbm>>
      %dma_start3A_618 = arith.constant 0 : i32
      %dma_start3A_619 = arith.constant 0 : i32
      %dma_start3A_620 = tpu.memref_slice %arg6[%dma_start3A_618, %dma_start3A_619] : memref<32x768xf32, #tpu.memory_space<vmem>> -> memref<16x768xf32, #tpu.memory_space<vmem>>
      tpu.enqueue_dma source(%dma_start3A_620 : memref<16x768xf32, #tpu.memory_space<vmem>>) target(%dma_start3A_617 : memref<16x768xf32, #tpu.memory_space<hbm>>) target_semaphore(%arg14 : memref<!tpu.dma_semaphore, #tpu.memory_space<semaphore_mem>>)
      %mul3A_621 = arith.constant 32 : i32
      %mul3A_622 = arith.muli %add3A_583, %mul3A_621 : i32
      %add3A_623 = arith.addi %mul3A_2, %mul3A_622 : i32
      %add3A_624 = arith.constant 16 : i32
      %add3A_625 = arith.addi %add3A_623, %add3A_624 : i32
      %dma_start3A_626 = arith.constant 16 : i32
      %dma_start3A_627 = arith.constant 0 : i32
      %dma_start3A_628 = tpu.memref_slice %arg6[%dma_start3A_626, %dma_start3A_627] : memref<32x768xf32, #tpu.memory_space<vmem>> -> memref<16x768xf32, #tpu.memory_space<vmem>>
      %dma_start3A_629 = arith.constant 0 : i32
      %dma_start3A_630 = tpu.memref_slice %arg4[%add3A_625, %dma_start3A_629] : memref<819200x768xf32, #tpu.memory_space<hbm>> -> memref<16x768xf32, #tpu.memory_space<hbm>>
      %dma_start3A_631 = arith.constant 0 : i32
      %dma_start3A_632 = tpu.memref_slice %arg4[%add3A_625, %dma_start3A_631] : memref<819200x768xf32, #tpu.memory_space<hbm>> -> memref<16x768xf32, #tpu.memory_space<hbm>>
      %dma_start3A_633 = arith.constant 16 : i32
      %dma_start3A_634 = arith.constant 0 : i32
      %dma_start3A_635 = tpu.memref_slice %arg6[%dma_start3A_633, %dma_start3A_634] : memref<32x768xf32, #tpu.memory_space<vmem>> -> memref<16x768xf32, #tpu.memory_space<vmem>>
      tpu.enqueue_dma source(%dma_start3A_635 : memref<16x768xf32, #tpu.memory_space<vmem>>) target(%dma_start3A_632 : memref<16x768xf32, #tpu.memory_space<hbm>>) target_semaphore(%arg14 : memref<!tpu.dma_semaphore, #tpu.memory_space<semaphore_mem>>)
      %sub3A_636 = arith.constant 2 : i32
      %sub3A_637 = arith.subi %add3A_583, %sub3A_636 : i32
      %mul3A_638 = arith.constant 32 : i32
      %mul3A_639 = arith.muli %sub3A_637, %mul3A_638 : i32
      %add3A_640 = arith.addi %mul3A_2, %mul3A_639 : i32
      %add3A_641 = arith.constant 0 : i32
      %add3A_642 = arith.addi %add3A_640, %add3A_641 : i32
      %dma_wait3A_643 = arith.constant 0 : i32
      %dma_wait3A_644 = arith.constant 0 : i32
      %dma_wait3A_645 = tpu.memref_slice %arg8[%dma_wait3A_643, %dma_wait3A_644] : memref<32x768xf32, #tpu.memory_space<vmem>> -> memref<16x768xf32, #tpu.memory_space<vmem>>
      %dma_wait3A_646 = arith.constant 0 : i32
      %dma_wait3A_647 = tpu.memref_slice %arg4[%add3A_642, %dma_wait3A_646] : memref<819200x768xf32, #tpu.memory_space<hbm>> -> memref<16x768xf32, #tpu.memory_space<hbm>>
      %dma_wait3A_648 = arith.constant 0 : i32
      %dma_wait3A_649 = tpu.memref_slice %arg4[%add3A_642, %dma_wait3A_648] : memref<819200x768xf32, #tpu.memory_space<hbm>> -> memref<16x768xf32, #tpu.memory_space<hbm>>
      %dma_wait3A_650 = arith.constant 0 : i32
      %dma_wait3A_651 = arith.constant 0 : i32
      %dma_wait3A_652 = tpu.memref_slice %arg8[%dma_wait3A_650, %dma_wait3A_651] : memref<32x768xf32, #tpu.memory_space<vmem>> -> memref<16x768xf32, #tpu.memory_space<vmem>>
      tpu.wait_dma2 semaphore(%arg16 : memref<!tpu.dma_semaphore, #tpu.memory_space<semaphore_mem>>) src(%dma_wait3A_652 : memref<16x768xf32, #tpu.memory_space<vmem>>) dst(%dma_wait3A_649 : memref<16x768xf32, #tpu.memory_space<hbm>>)
      %mul3A_653 = arith.constant 32 : i32
      %mul3A_654 = arith.muli %sub3A_637, %mul3A_653 : i32
      %add3A_655 = arith.addi %mul3A_2, %mul3A_654 : i32
      %add3A_656 = arith.constant 16 : i32
      %add3A_657 = arith.addi %add3A_655, %add3A_656 : i32
      %dma_wait3A_658 = arith.constant 16 : i32
      %dma_wait3A_659 = arith.constant 0 : i32
      %dma_wait3A_660 = tpu.memref_slice %arg8[%dma_wait3A_658, %dma_wait3A_659] : memref<32x768xf32, #tpu.memory_space<vmem>> -> memref<16x768xf32, #tpu.memory_space<vmem>>
      %dma_wait3A_661 = arith.constant 0 : i32
      %dma_wait3A_662 = tpu.memref_slice %arg4[%add3A_657, %dma_wait3A_661] : memref<819200x768xf32, #tpu.memory_space<hbm>> -> memref<16x768xf32, #tpu.memory_space<hbm>>
      %dma_wait3A_663 = arith.constant 0 : i32
      %dma_wait3A_664 = tpu.memref_slice %arg4[%add3A_657, %dma_wait3A_663] : memref<819200x768xf32, #tpu.memory_space<hbm>> -> memref<16x768xf32, #tpu.memory_space<hbm>>
      %dma_wait3A_665 = arith.constant 16 : i32
      %dma_wait3A_666 = arith.constant 0 : i32
      %dma_wait3A_667 = tpu.memref_slice %arg8[%dma_wait3A_665, %dma_wait3A_666] : memref<32x768xf32, #tpu.memory_space<vmem>> -> memref<16x768xf32, #tpu.memory_space<vmem>>
      tpu.wait_dma2 semaphore(%arg16 : memref<!tpu.dma_semaphore, #tpu.memory_space<semaphore_mem>>) src(%dma_wait3A_667 : memref<16x768xf32, #tpu.memory_space<vmem>>) dst(%dma_wait3A_664 : memref<16x768xf32, #tpu.memory_space<hbm>>)
      %add3A_668 = arith.constant 2 : i32
      %add3A_669 = arith.addi %add3A_583, %add3A_668 : i32
      %mul3A_670 = arith.constant 32 : i32
      %mul3A_671 = arith.muli %add3A_669, %mul3A_670 : i32
      %add3A_672 = arith.constant 0 : i32
      %add3A_673 = arith.addi %mul3A_671, %add3A_672 : i32
      %dma_start3A_674 = arith.constant 0 : i32
      %dma_start3A_675 = arith.constant 0 : i32
      %dma_start3A_676 = tpu.memref_slice %arg8[%dma_start3A_674, %dma_start3A_675] : memref<32x768xf32, #tpu.memory_space<vmem>> -> memref<16x768xf32, #tpu.memory_space<vmem>>
      %dma_start3A_677 = tpu.memref_slice %arg5[%add3A_673] : memref<25600xi32, #tpu.memory_space<vmem>> -> memref<16xi32, #tpu.memory_space<vmem>>
      %dma_start3A_678 = arith.constant 0 : i32
      %dma_start3A_679 = arith.constant 0 : i32
      %dma_start3A_680 = tpu.memref_slice %arg3[%dma_start3A_678, %dma_start3A_679] : memref<100000x768xf32, #tpu.memory_space<hbm>> -> memref<100000x768xf32, #tpu.memory_space<hbm>>
      tpu.enqueue_indirect_dma source(%dma_start3A_680 : memref<100000x768xf32, #tpu.memory_space<hbm>>) target(%dma_start3A_676 : memref<16x768xf32, #tpu.memory_space<vmem>>) offsets(%dma_start3A_677 : memref<16xi32, #tpu.memory_space<vmem>>) semaphore(%arg12 : memref<!tpu.dma_semaphore, #tpu.memory_space<semaphore_mem>>)
      %mul3A_681 = arith.constant 32 : i32
      %mul3A_682 = arith.muli %add3A_669, %mul3A_681 : i32
      %add3A_683 = arith.constant 16 : i32
      %add3A_684 = arith.addi %mul3A_682, %add3A_683 : i32
      %dma_start3A_685 = arith.constant 16 : i32
      %dma_start3A_686 = arith.constant 0 : i32
      %dma_start3A_687 = tpu.memref_slice %arg8[%dma_start3A_685, %dma_start3A_686] : memref<32x768xf32, #tpu.memory_space<vmem>> -> memref<16x768xf32, #tpu.memory_space<vmem>>
      %dma_start3A_688 = tpu.memref_slice %arg5[%add3A_684] : memref<25600xi32, #tpu.memory_space<vmem>> -> memref<16xi32, #tpu.memory_space<vmem>>
      %dma_start3A_689 = arith.constant 0 : i32
      %dma_start3A_690 = arith.constant 0 : i32
      %dma_start3A_691 = tpu.memref_slice %arg3[%dma_start3A_689, %dma_start3A_690] : memref<100000x768xf32, #tpu.memory_space<hbm>> -> memref<100000x768xf32, #tpu.memory_space<hbm>>
      tpu.enqueue_indirect_dma source(%dma_start3A_691 : memref<100000x768xf32, #tpu.memory_space<hbm>>) target(%dma_start3A_687 : memref<16x768xf32, #tpu.memory_space<vmem>>) offsets(%dma_start3A_688 : memref<16xi32, #tpu.memory_space<vmem>>) semaphore(%arg12 : memref<!tpu.dma_semaphore, #tpu.memory_space<semaphore_mem>>)
      %add3A_692 = arith.constant 3 : i32
      %add3A_693 = arith.addi %add3A_362, %add3A_692 : i32
      %mul3A_694 = arith.constant 32 : i32
      %mul3A_695 = arith.muli %add3A_693, %mul3A_694 : i32
      %add3A_696 = arith.constant 0 : i32
      %add3A_697 = arith.addi %mul3A_695, %add3A_696 : i32
      %dma_wait3A_698 = arith.constant 0 : i32
      %dma_wait3A_699 = arith.constant 0 : i32
      %dma_wait3A_700 = tpu.memref_slice %arg7[%dma_wait3A_698, %dma_wait3A_699] : memref<32x768xf32, #tpu.memory_space<vmem>> -> memref<16x768xf32, #tpu.memory_space<vmem>>
      %dma_wait3A_701 = tpu.memref_slice %arg5[%add3A_697] : memref<25600xi32, #tpu.memory_space<vmem>> -> memref<16xi32, #tpu.memory_space<vmem>>
      %dma_wait3A_702 = arith.constant 0 : i32
      %dma_wait3A_703 = arith.constant 0 : i32
      %dma_wait3A_704 = tpu.memref_slice %arg3[%dma_wait3A_702, %dma_wait3A_703] : memref<100000x768xf32, #tpu.memory_space<hbm>> -> memref<100000x768xf32, #tpu.memory_space<hbm>>
      tpu.wait_indirect_dma semaphore(%arg11 : memref<!tpu.dma_semaphore, #tpu.memory_space<semaphore_mem>>) src(%dma_wait3A_704 : memref<100000x768xf32, #tpu.memory_space<hbm>>) dst(%dma_wait3A_700 : memref<16x768xf32, #tpu.memory_space<vmem>>)
      %mul3A_705 = arith.constant 32 : i32
      %mul3A_706 = arith.muli %add3A_693, %mul3A_705 : i32
      %add3A_707 = arith.constant 16 : i32
      %add3A_708 = arith.addi %mul3A_706, %add3A_707 : i32
      %dma_wait3A_709 = arith.constant 16 : i32
      %dma_wait3A_710 = arith.constant 0 : i32
      %dma_wait3A_711 = tpu.memref_slice %arg7[%dma_wait3A_709, %dma_wait3A_710] : memref<32x768xf32, #tpu.memory_space<vmem>> -> memref<16x768xf32, #tpu.memory_space<vmem>>
      %dma_wait3A_712 = tpu.memref_slice %arg5[%add3A_708] : memref<25600xi32, #tpu.memory_space<vmem>> -> memref<16xi32, #tpu.memory_space<vmem>>
      %dma_wait3A_713 = arith.constant 0 : i32
      %dma_wait3A_714 = arith.constant 0 : i32
      %dma_wait3A_715 = tpu.memref_slice %arg3[%dma_wait3A_713, %dma_wait3A_714] : memref<100000x768xf32, #tpu.memory_space<hbm>> -> memref<100000x768xf32, #tpu.memory_space<hbm>>
      tpu.wait_indirect_dma semaphore(%arg11 : memref<!tpu.dma_semaphore, #tpu.memory_space<semaphore_mem>>) src(%dma_wait3A_715 : memref<100000x768xf32, #tpu.memory_space<hbm>>) dst(%dma_wait3A_711 : memref<16x768xf32, #tpu.memory_space<vmem>>)
      %mul3A_716 = arith.constant 32 : i32
      %mul3A_717 = arith.muli %add3A_693, %mul3A_716 : i32
      %add3A_718 = arith.addi %mul3A_2, %mul3A_717 : i32
      %add3A_719 = arith.constant 0 : i32
      %add3A_720 = arith.addi %add3A_718, %add3A_719 : i32
      %dma_start3A_721 = arith.constant 0 : i32
      %dma_start3A_722 = arith.constant 0 : i32
      %dma_start3A_723 = tpu.memref_slice %arg7[%dma_start3A_721, %dma_start3A_722] : memref<32x768xf32, #tpu.memory_space<vmem>> -> memref<16x768xf32, #tpu.memory_space<vmem>>
      %dma_start3A_724 = arith.constant 0 : i32
      %dma_start3A_725 = tpu.memref_slice %arg4[%add3A_720, %dma_start3A_724] : memref<819200x768xf32, #tpu.memory_space<hbm>> -> memref<16x768xf32, #tpu.memory_space<hbm>>
      %dma_start3A_726 = arith.constant 0 : i32
      %dma_start3A_727 = tpu.memref_slice %arg4[%add3A_720, %dma_start3A_726] : memref<819200x768xf32, #tpu.memory_space<hbm>> -> memref<16x768xf32, #tpu.memory_space<hbm>>
      %dma_start3A_728 = arith.constant 0 : i32
      %dma_start3A_729 = arith.constant 0 : i32
      %dma_start3A_730 = tpu.memref_slice %arg7[%dma_start3A_728, %dma_start3A_729] : memref<32x768xf32, #tpu.memory_space<vmem>> -> memref<16x768xf32, #tpu.memory_space<vmem>>
      tpu.enqueue_dma source(%dma_start3A_730 : memref<16x768xf32, #tpu.memory_space<vmem>>) target(%dma_start3A_727 : memref<16x768xf32, #tpu.memory_space<hbm>>) target_semaphore(%arg15 : memref<!tpu.dma_semaphore, #tpu.memory_space<semaphore_mem>>)
      %mul3A_731 = arith.constant 32 : i32
      %mul3A_732 = arith.muli %add3A_693, %mul3A_731 : i32
      %add3A_733 = arith.addi %mul3A_2, %mul3A_732 : i32
      %add3A_734 = arith.constant 16 : i32
      %add3A_735 = arith.addi %add3A_733, %add3A_734 : i32
      %dma_start3A_736 = arith.constant 16 : i32
      %dma_start3A_737 = arith.constant 0 : i32
      %dma_start3A_738 = tpu.memref_slice %arg7[%dma_start3A_736, %dma_start3A_737] : memref<32x768xf32, #tpu.memory_space<vmem>> -> memref<16x768xf32, #tpu.memory_space<vmem>>
      %dma_start3A_739 = arith.constant 0 : i32
      %dma_start3A_740 = tpu.memref_slice %arg4[%add3A_735, %dma_start3A_739] : memref<819200x768xf32, #tpu.memory_space<hbm>> -> memref<16x768xf32, #tpu.memory_space<hbm>>
      %dma_start3A_741 = arith.constant 0 : i32
      %dma_start3A_742 = tpu.memref_slice %arg4[%add3A_735, %dma_start3A_741] : memref<819200x768xf32, #tpu.memory_space<hbm>> -> memref<16x768xf32, #tpu.memory_space<hbm>>
      %dma_start3A_743 = arith.constant 16 : i32
      %dma_start3A_744 = arith.constant 0 : i32
      %dma_start3A_745 = tpu.memref_slice %arg7[%dma_start3A_743, %dma_start3A_744] : memref<32x768xf32, #tpu.memory_space<vmem>> -> memref<16x768xf32, #tpu.memory_space<vmem>>
      tpu.enqueue_dma source(%dma_start3A_745 : memref<16x768xf32, #tpu.memory_space<vmem>>) target(%dma_start3A_742 : memref<16x768xf32, #tpu.memory_space<hbm>>) target_semaphore(%arg15 : memref<!tpu.dma_semaphore, #tpu.memory_space<semaphore_mem>>)
      %sub3A_746 = arith.constant 2 : i32
      %sub3A_747 = arith.subi %add3A_693, %sub3A_746 : i32
      %mul3A_748 = arith.constant 32 : i32
      %mul3A_749 = arith.muli %sub3A_747, %mul3A_748 : i32
      %add3A_750 = arith.addi %mul3A_2, %mul3A_749 : i32
      %add3A_751 = arith.constant 0 : i32
      %add3A_752 = arith.addi %add3A_750, %add3A_751 : i32
      %dma_wait3A_753 = arith.constant 0 : i32
      %dma_wait3A_754 = arith.constant 0 : i32
      %dma_wait3A_755 = tpu.memref_slice %arg9[%dma_wait3A_753, %dma_wait3A_754] : memref<32x768xf32, #tpu.memory_space<vmem>> -> memref<16x768xf32, #tpu.memory_space<vmem>>
      %dma_wait3A_756 = arith.constant 0 : i32
      %dma_wait3A_757 = tpu.memref_slice %arg4[%add3A_752, %dma_wait3A_756] : memref<819200x768xf32, #tpu.memory_space<hbm>> -> memref<16x768xf32, #tpu.memory_space<hbm>>
      %dma_wait3A_758 = arith.constant 0 : i32
      %dma_wait3A_759 = tpu.memref_slice %arg4[%add3A_752, %dma_wait3A_758] : memref<819200x768xf32, #tpu.memory_space<hbm>> -> memref<16x768xf32, #tpu.memory_space<hbm>>
      %dma_wait3A_760 = arith.constant 0 : i32
      %dma_wait3A_761 = arith.constant 0 : i32
      %dma_wait3A_762 = tpu.memref_slice %arg9[%dma_wait3A_760, %dma_wait3A_761] : memref<32x768xf32, #tpu.memory_space<vmem>> -> memref<16x768xf32, #tpu.memory_space<vmem>>
      tpu.wait_dma2 semaphore(%arg17 : memref<!tpu.dma_semaphore, #tpu.memory_space<semaphore_mem>>) src(%dma_wait3A_762 : memref<16x768xf32, #tpu.memory_space<vmem>>) dst(%dma_wait3A_759 : memref<16x768xf32, #tpu.memory_space<hbm>>)
      %mul3A_763 = arith.constant 32 : i32
      %mul3A_764 = arith.muli %sub3A_747, %mul3A_763 : i32
      %add3A_765 = arith.addi %mul3A_2, %mul3A_764 : i32
      %add3A_766 = arith.constant 16 : i32
      %add3A_767 = arith.addi %add3A_765, %add3A_766 : i32
      %dma_wait3A_768 = arith.constant 16 : i32
      %dma_wait3A_769 = arith.constant 0 : i32
      %dma_wait3A_770 = tpu.memref_slice %arg9[%dma_wait3A_768, %dma_wait3A_769] : memref<32x768xf32, #tpu.memory_space<vmem>> -> memref<16x768xf32, #tpu.memory_space<vmem>>
      %dma_wait3A_771 = arith.constant 0 : i32
      %dma_wait3A_772 = tpu.memref_slice %arg4[%add3A_767, %dma_wait3A_771] : memref<819200x768xf32, #tpu.memory_space<hbm>> -> memref<16x768xf32, #tpu.memory_space<hbm>>
      %dma_wait3A_773 = arith.constant 0 : i32
      %dma_wait3A_774 = tpu.memref_slice %arg4[%add3A_767, %dma_wait3A_773] : memref<819200x768xf32, #tpu.memory_space<hbm>> -> memref<16x768xf32, #tpu.memory_space<hbm>>
      %dma_wait3A_775 = arith.constant 16 : i32
      %dma_wait3A_776 = arith.constant 0 : i32
      %dma_wait3A_777 = tpu.memref_slice %arg9[%dma_wait3A_775, %dma_wait3A_776] : memref<32x768xf32, #tpu.memory_space<vmem>> -> memref<16x768xf32, #tpu.memory_space<vmem>>
      tpu.wait_dma2 semaphore(%arg17 : memref<!tpu.dma_semaphore, #tpu.memory_space<semaphore_mem>>) src(%dma_wait3A_777 : memref<16x768xf32, #tpu.memory_space<vmem>>) dst(%dma_wait3A_774 : memref<16x768xf32, #tpu.memory_space<hbm>>)
      %add3A_778 = arith.constant 2 : i32
      %add3A_779 = arith.addi %add3A_693, %add3A_778 : i32
      %mul3A_780 = arith.constant 32 : i32
      %mul3A_781 = arith.muli %add3A_779, %mul3A_780 : i32
      %add3A_782 = arith.constant 0 : i32
      %add3A_783 = arith.addi %mul3A_781, %add3A_782 : i32
      %dma_start3A_784 = arith.constant 0 : i32
      %dma_start3A_785 = arith.constant 0 : i32
      %dma_start3A_786 = tpu.memref_slice %arg9[%dma_start3A_784, %dma_start3A_785] : memref<32x768xf32, #tpu.memory_space<vmem>> -> memref<16x768xf32, #tpu.memory_space<vmem>>
      %dma_start3A_787 = tpu.memref_slice %arg5[%add3A_783] : memref<25600xi32, #tpu.memory_space<vmem>> -> memref<16xi32, #tpu.memory_space<vmem>>
      %dma_start3A_788 = arith.constant 0 : i32
      %dma_start3A_789 = arith.constant 0 : i32
      %dma_start3A_790 = tpu.memref_slice %arg3[%dma_start3A_788, %dma_start3A_789] : memref<100000x768xf32, #tpu.memory_space<hbm>> -> memref<100000x768xf32, #tpu.memory_space<hbm>>
      tpu.enqueue_indirect_dma source(%dma_start3A_790 : memref<100000x768xf32, #tpu.memory_space<hbm>>) target(%dma_start3A_786 : memref<16x768xf32, #tpu.memory_space<vmem>>) offsets(%dma_start3A_787 : memref<16xi32, #tpu.memory_space<vmem>>) semaphore(%arg13 : memref<!tpu.dma_semaphore, #tpu.memory_space<semaphore_mem>>)
      %mul3A_791 = arith.constant 32 : i32
      %mul3A_792 = arith.muli %add3A_779, %mul3A_791 : i32
      %add3A_793 = arith.constant 16 : i32
      %add3A_794 = arith.addi %mul3A_792, %add3A_793 : i32
      %dma_start3A_795 = arith.constant 16 : i32
      %dma_start3A_796 = arith.constant 0 : i32
      %dma_start3A_797 = tpu.memref_slice %arg9[%dma_start3A_795, %dma_start3A_796] : memref<32x768xf32, #tpu.memory_space<vmem>> -> memref<16x768xf32, #tpu.memory_space<vmem>>
      %dma_start3A_798 = tpu.memref_slice %arg5[%add3A_794] : memref<25600xi32, #tpu.memory_space<vmem>> -> memref<16xi32, #tpu.memory_space<vmem>>
      %dma_start3A_799 = arith.constant 0 : i32
      %dma_start3A_800 = arith.constant 0 : i32
      %dma_start3A_801 = tpu.memref_slice %arg3[%dma_start3A_799, %dma_start3A_800] : memref<100000x768xf32, #tpu.memory_space<hbm>> -> memref<100000x768xf32, #tpu.memory_space<hbm>>
      tpu.enqueue_indirect_dma source(%dma_start3A_801 : memref<100000x768xf32, #tpu.memory_space<hbm>>) target(%dma_start3A_797 : memref<16x768xf32, #tpu.memory_space<vmem>>) offsets(%dma_start3A_798 : memref<16xi32, #tpu.memory_space<vmem>>) semaphore(%arg13 : memref<!tpu.dma_semaphore, #tpu.memory_space<semaphore_mem>>)
    }
    %scan3A_157 = arith.constant 199 : i32
    %dma_wait3A_158 = arith.constant 0 : i32
    %dma_wait3A_159 = arith.constant 0 : i32
    %dma_wait3A_160 = tpu.memref_slice %arg8[%dma_wait3A_158, %dma_wait3A_159] : memref<32x768xf32, #tpu.memory_space<vmem>> -> memref<16x768xf32, #tpu.memory_space<vmem>>
    %dma_wait3A_161 = arith.constant 25536 : i32
    %dma_wait3A_162 = tpu.memref_slice %arg5[%dma_wait3A_161] : memref<25600xi32, #tpu.memory_space<vmem>> -> memref<16xi32, #tpu.memory_space<vmem>>
    %dma_wait3A_163 = arith.constant 0 : i32
    %dma_wait3A_164 = arith.constant 0 : i32
    %dma_wait3A_165 = tpu.memref_slice %arg3[%dma_wait3A_163, %dma_wait3A_164] : memref<100000x768xf32, #tpu.memory_space<hbm>> -> memref<100000x768xf32, #tpu.memory_space<hbm>>
    tpu.wait_indirect_dma semaphore(%arg12 : memref<!tpu.dma_semaphore, #tpu.memory_space<semaphore_mem>>) src(%dma_wait3A_165 : memref<100000x768xf32, #tpu.memory_space<hbm>>) dst(%dma_wait3A_160 : memref<16x768xf32, #tpu.memory_space<vmem>>)
    %dma_wait3A_166 = arith.constant 16 : i32
    %dma_wait3A_167 = arith.constant 0 : i32
    %dma_wait3A_168 = tpu.memref_slice %arg8[%dma_wait3A_166, %dma_wait3A_167] : memref<32x768xf32, #tpu.memory_space<vmem>> -> memref<16x768xf32, #tpu.memory_space<vmem>>
    %dma_wait3A_169 = arith.constant 25552 : i32
    %dma_wait3A_170 = tpu.memref_slice %arg5[%dma_wait3A_169] : memref<25600xi32, #tpu.memory_space<vmem>> -> memref<16xi32, #tpu.memory_space<vmem>>
    %dma_wait3A_171 = arith.constant 0 : i32
    %dma_wait3A_172 = arith.constant 0 : i32
    %dma_wait3A_173 = tpu.memref_slice %arg3[%dma_wait3A_171, %dma_wait3A_172] : memref<100000x768xf32, #tpu.memory_space<hbm>> -> memref<100000x768xf32, #tpu.memory_space<hbm>>
    tpu.wait_indirect_dma semaphore(%arg12 : memref<!tpu.dma_semaphore, #tpu.memory_space<semaphore_mem>>) src(%dma_wait3A_173 : memref<100000x768xf32, #tpu.memory_space<hbm>>) dst(%dma_wait3A_168 : memref<16x768xf32, #tpu.memory_space<vmem>>)
    %add3A_174 = arith.constant 25536 : i32
    %add3A_175 = arith.addi %mul3A_2, %add3A_174 : i32
    %add3A_176 = arith.constant 0 : i32
    %add3A_177 = arith.addi %add3A_175, %add3A_176 : i32
    %dma_start3A_178 = arith.constant 0 : i32
    %dma_start3A_179 = arith.constant 0 : i32
    %dma_start3A_180 = tpu.memref_slice %arg8[%dma_start3A_178, %dma_start3A_179] : memref<32x768xf32, #tpu.memory_space<vmem>> -> memref<16x768xf32, #tpu.memory_space<vmem>>
    %dma_start3A_181 = arith.constant 0 : i32
    %dma_start3A_182 = tpu.memref_slice %arg4[%add3A_177, %dma_start3A_181] : memref<819200x768xf32, #tpu.memory_space<hbm>> -> memref<16x768xf32, #tpu.memory_space<hbm>>
    %dma_start3A_183 = arith.constant 0 : i32
    %dma_start3A_184 = tpu.memref_slice %arg4[%add3A_177, %dma_start3A_183] : memref<819200x768xf32, #tpu.memory_space<hbm>> -> memref<16x768xf32, #tpu.memory_space<hbm>>
    %dma_start3A_185 = arith.constant 0 : i32
    %dma_start3A_186 = arith.constant 0 : i32
    %dma_start3A_187 = tpu.memref_slice %arg8[%dma_start3A_185, %dma_start3A_186] : memref<32x768xf32, #tpu.memory_space<vmem>> -> memref<16x768xf32, #tpu.memory_space<vmem>>
    tpu.enqueue_dma source(%dma_start3A_187 : memref<16x768xf32, #tpu.memory_space<vmem>>) target(%dma_start3A_184 : memref<16x768xf32, #tpu.memory_space<hbm>>) target_semaphore(%arg16 : memref<!tpu.dma_semaphore, #tpu.memory_space<semaphore_mem>>)
    %add3A_188 = arith.constant 25536 : i32
    %add3A_189 = arith.addi %mul3A_2, %add3A_188 : i32
    %add3A_190 = arith.constant 16 : i32
    %add3A_191 = arith.addi %add3A_189, %add3A_190 : i32
    %dma_start3A_192 = arith.constant 16 : i32
    %dma_start3A_193 = arith.constant 0 : i32
    %dma_start3A_194 = tpu.memref_slice %arg8[%dma_start3A_192, %dma_start3A_193] : memref<32x768xf32, #tpu.memory_space<vmem>> -> memref<16x768xf32, #tpu.memory_space<vmem>>
    %dma_start3A_195 = arith.constant 0 : i32
    %dma_start3A_196 = tpu.memref_slice %arg4[%add3A_191, %dma_start3A_195] : memref<819200x768xf32, #tpu.memory_space<hbm>> -> memref<16x768xf32, #tpu.memory_space<hbm>>
    %dma_start3A_197 = arith.constant 0 : i32
    %dma_start3A_198 = tpu.memref_slice %arg4[%add3A_191, %dma_start3A_197] : memref<819200x768xf32, #tpu.memory_space<hbm>> -> memref<16x768xf32, #tpu.memory_space<hbm>>
    %dma_start3A_199 = arith.constant 16 : i32
    %dma_start3A_200 = arith.constant 0 : i32
    %dma_start3A_201 = tpu.memref_slice %arg8[%dma_start3A_199, %dma_start3A_200] : memref<32x768xf32, #tpu.memory_space<vmem>> -> memref<16x768xf32, #tpu.memory_space<vmem>>
    tpu.enqueue_dma source(%dma_start3A_201 : memref<16x768xf32, #tpu.memory_space<vmem>>) target(%dma_start3A_198 : memref<16x768xf32, #tpu.memory_space<hbm>>) target_semaphore(%arg16 : memref<!tpu.dma_semaphore, #tpu.memory_space<semaphore_mem>>)
    %dma_wait3A_202 = arith.constant 0 : i32
    %dma_wait3A_203 = arith.constant 0 : i32
    %dma_wait3A_204 = tpu.memref_slice %arg9[%dma_wait3A_202, %dma_wait3A_203] : memref<32x768xf32, #tpu.memory_space<vmem>> -> memref<16x768xf32, #tpu.memory_space<vmem>>
    %dma_wait3A_205 = arith.constant 25568 : i32
    %dma_wait3A_206 = tpu.memref_slice %arg5[%dma_wait3A_205] : memref<25600xi32, #tpu.memory_space<vmem>> -> memref<16xi32, #tpu.memory_space<vmem>>
    %dma_wait3A_207 = arith.constant 0 : i32
    %dma_wait3A_208 = arith.constant 0 : i32
    %dma_wait3A_209 = tpu.memref_slice %arg3[%dma_wait3A_207, %dma_wait3A_208] : memref<100000x768xf32, #tpu.memory_space<hbm>> -> memref<100000x768xf32, #tpu.memory_space<hbm>>
    tpu.wait_indirect_dma semaphore(%arg13 : memref<!tpu.dma_semaphore, #tpu.memory_space<semaphore_mem>>) src(%dma_wait3A_209 : memref<100000x768xf32, #tpu.memory_space<hbm>>) dst(%dma_wait3A_204 : memref<16x768xf32, #tpu.memory_space<vmem>>)
    %dma_wait3A_210 = arith.constant 16 : i32
    %dma_wait3A_211 = arith.constant 0 : i32
    %dma_wait3A_212 = tpu.memref_slice %arg9[%dma_wait3A_210, %dma_wait3A_211] : memref<32x768xf32, #tpu.memory_space<vmem>> -> memref<16x768xf32, #tpu.memory_space<vmem>>
    %dma_wait3A_213 = arith.constant 25584 : i32
    %dma_wait3A_214 = tpu.memref_slice %arg5[%dma_wait3A_213] : memref<25600xi32, #tpu.memory_space<vmem>> -> memref<16xi32, #tpu.memory_space<vmem>>
    %dma_wait3A_215 = arith.constant 0 : i32
    %dma_wait3A_216 = arith.constant 0 : i32
    %dma_wait3A_217 = tpu.memref_slice %arg3[%dma_wait3A_215, %dma_wait3A_216] : memref<100000x768xf32, #tpu.memory_space<hbm>> -> memref<100000x768xf32, #tpu.memory_space<hbm>>
    tpu.wait_indirect_dma semaphore(%arg13 : memref<!tpu.dma_semaphore, #tpu.memory_space<semaphore_mem>>) src(%dma_wait3A_217 : memref<100000x768xf32, #tpu.memory_space<hbm>>) dst(%dma_wait3A_212 : memref<16x768xf32, #tpu.memory_space<vmem>>)
    %add3A_218 = arith.constant 25568 : i32
    %add3A_219 = arith.addi %mul3A_2, %add3A_218 : i32
    %add3A_220 = arith.constant 0 : i32
    %add3A_221 = arith.addi %add3A_219, %add3A_220 : i32
    %dma_start3A_222 = arith.constant 0 : i32
    %dma_start3A_223 = arith.constant 0 : i32
    %dma_start3A_224 = tpu.memref_slice %arg9[%dma_start3A_222, %dma_start3A_223] : memref<32x768xf32, #tpu.memory_space<vmem>> -> memref<16x768xf32, #tpu.memory_space<vmem>>
    %dma_start3A_225 = arith.constant 0 : i32
    %dma_start3A_226 = tpu.memref_slice %arg4[%add3A_221, %dma_start3A_225] : memref<819200x768xf32, #tpu.memory_space<hbm>> -> memref<16x768xf32, #tpu.memory_space<hbm>>
    %dma_start3A_227 = arith.constant 0 : i32
    %dma_start3A_228 = tpu.memref_slice %arg4[%add3A_221, %dma_start3A_227] : memref<819200x768xf32, #tpu.memory_space<hbm>> -> memref<16x768xf32, #tpu.memory_space<hbm>>
    %dma_start3A_229 = arith.constant 0 : i32
    %dma_start3A_230 = arith.constant 0 : i32
    %dma_start3A_231 = tpu.memref_slice %arg9[%dma_start3A_229, %dma_start3A_230] : memref<32x768xf32, #tpu.memory_space<vmem>> -> memref<16x768xf32, #tpu.memory_space<vmem>>
    tpu.enqueue_dma source(%dma_start3A_231 : memref<16x768xf32, #tpu.memory_space<vmem>>) target(%dma_start3A_228 : memref<16x768xf32, #tpu.memory_space<hbm>>) target_semaphore(%arg17 : memref<!tpu.dma_semaphore, #tpu.memory_space<semaphore_mem>>)
    %add3A_232 = arith.constant 25568 : i32
    %add3A_233 = arith.addi %mul3A_2, %add3A_232 : i32
    %add3A_234 = arith.constant 16 : i32
    %add3A_235 = arith.addi %add3A_233, %add3A_234 : i32
    %dma_start3A_236 = arith.constant 16 : i32
    %dma_start3A_237 = arith.constant 0 : i32
    %dma_start3A_238 = tpu.memref_slice %arg9[%dma_start3A_236, %dma_start3A_237] : memref<32x768xf32, #tpu.memory_space<vmem>> -> memref<16x768xf32, #tpu.memory_space<vmem>>
    %dma_start3A_239 = arith.constant 0 : i32
    %dma_start3A_240 = tpu.memref_slice %arg4[%add3A_235, %dma_start3A_239] : memref<819200x768xf32, #tpu.memory_space<hbm>> -> memref<16x768xf32, #tpu.memory_space<hbm>>
    %dma_start3A_241 = arith.constant 0 : i32
    %dma_start3A_242 = tpu.memref_slice %arg4[%add3A_235, %dma_start3A_241] : memref<819200x768xf32, #tpu.memory_space<hbm>> -> memref<16x768xf32, #tpu.memory_space<hbm>>
    %dma_start3A_243 = arith.constant 16 : i32
    %dma_start3A_244 = arith.constant 0 : i32
    %dma_start3A_245 = tpu.memref_slice %arg9[%dma_start3A_243, %dma_start3A_244] : memref<32x768xf32, #tpu.memory_space<vmem>> -> memref<16x768xf32, #tpu.memory_space<vmem>>
    tpu.enqueue_dma source(%dma_start3A_245 : memref<16x768xf32, #tpu.memory_space<vmem>>) target(%dma_start3A_242 : memref<16x768xf32, #tpu.memory_space<hbm>>) target_semaphore(%arg17 : memref<!tpu.dma_semaphore, #tpu.memory_space<semaphore_mem>>)
    %add3A_246 = arith.constant 25472 : i32
    %add3A_247 = arith.addi %mul3A_2, %add3A_246 : i32
    %add3A_248 = arith.constant 0 : i32
    %add3A_249 = arith.addi %add3A_247, %add3A_248 : i32
    %dma_wait3A_250 = arith.constant 0 : i32
    %dma_wait3A_251 = arith.constant 0 : i32
    %dma_wait3A_252 = tpu.memref_slice %arg6[%dma_wait3A_250, %dma_wait3A_251] : memref<32x768xf32, #tpu.memory_space<vmem>> -> memref<16x768xf32, #tpu.memory_space<vmem>>
    %dma_wait3A_253 = arith.constant 0 : i32
    %dma_wait3A_254 = tpu.memref_slice %arg4[%add3A_249, %dma_wait3A_253] : memref<819200x768xf32, #tpu.memory_space<hbm>> -> memref<16x768xf32, #tpu.memory_space<hbm>>
    %dma_wait3A_255 = arith.constant 0 : i32
    %dma_wait3A_256 = tpu.memref_slice %arg4[%add3A_249, %dma_wait3A_255] : memref<819200x768xf32, #tpu.memory_space<hbm>> -> memref<16x768xf32, #tpu.memory_space<hbm>>
    %dma_wait3A_257 = arith.constant 0 : i32
    %dma_wait3A_258 = arith.constant 0 : i32
    %dma_wait3A_259 = tpu.memref_slice %arg6[%dma_wait3A_257, %dma_wait3A_258] : memref<32x768xf32, #tpu.memory_space<vmem>> -> memref<16x768xf32, #tpu.memory_space<vmem>>
    tpu.wait_dma2 semaphore(%arg14 : memref<!tpu.dma_semaphore, #tpu.memory_space<semaphore_mem>>) src(%dma_wait3A_259 : memref<16x768xf32, #tpu.memory_space<vmem>>) dst(%dma_wait3A_256 : memref<16x768xf32, #tpu.memory_space<hbm>>)
    %add3A_260 = arith.constant 25472 : i32
    %add3A_261 = arith.addi %mul3A_2, %add3A_260 : i32
    %add3A_262 = arith.constant 16 : i32
    %add3A_263 = arith.addi %add3A_261, %add3A_262 : i32
    %dma_wait3A_264 = arith.constant 16 : i32
    %dma_wait3A_265 = arith.constant 0 : i32
    %dma_wait3A_266 = tpu.memref_slice %arg6[%dma_wait3A_264, %dma_wait3A_265] : memref<32x768xf32, #tpu.memory_space<vmem>> -> memref<16x768xf32, #tpu.memory_space<vmem>>
    %dma_wait3A_267 = arith.constant 0 : i32
    %dma_wait3A_268 = tpu.memref_slice %arg4[%add3A_263, %dma_wait3A_267] : memref<819200x768xf32, #tpu.memory_space<hbm>> -> memref<16x768xf32, #tpu.memory_space<hbm>>
    %dma_wait3A_269 = arith.constant 0 : i32
    %dma_wait3A_270 = tpu.memref_slice %arg4[%add3A_263, %dma_wait3A_269] : memref<819200x768xf32, #tpu.memory_space<hbm>> -> memref<16x768xf32, #tpu.memory_space<hbm>>
    %dma_wait3A_271 = arith.constant 16 : i32
    %dma_wait3A_272 = arith.constant 0 : i32
    %dma_wait3A_273 = tpu.memref_slice %arg6[%dma_wait3A_271, %dma_wait3A_272] : memref<32x768xf32, #tpu.memory_space<vmem>> -> memref<16x768xf32, #tpu.memory_space<vmem>>
    tpu.wait_dma2 semaphore(%arg14 : memref<!tpu.dma_semaphore, #tpu.memory_space<semaphore_mem>>) src(%dma_wait3A_273 : memref<16x768xf32, #tpu.memory_space<vmem>>) dst(%dma_wait3A_270 : memref<16x768xf32, #tpu.memory_space<hbm>>)
    %add3A_274 = arith.constant 25504 : i32
    %add3A_275 = arith.addi %mul3A_2, %add3A_274 : i32
    %add3A_276 = arith.constant 0 : i32
    %add3A_277 = arith.addi %add3A_275, %add3A_276 : i32
    %dma_wait3A_278 = arith.constant 0 : i32
    %dma_wait3A_279 = arith.constant 0 : i32
    %dma_wait3A_280 = tpu.memref_slice %arg7[%dma_wait3A_278, %dma_wait3A_279] : memref<32x768xf32, #tpu.memory_space<vmem>> -> memref<16x768xf32, #tpu.memory_space<vmem>>
    %dma_wait3A_281 = arith.constant 0 : i32
    %dma_wait3A_282 = tpu.memref_slice %arg4[%add3A_277, %dma_wait3A_281] : memref<819200x768xf32, #tpu.memory_space<hbm>> -> memref<16x768xf32, #tpu.memory_space<hbm>>
    %dma_wait3A_283 = arith.constant 0 : i32
    %dma_wait3A_284 = tpu.memref_slice %arg4[%add3A_277, %dma_wait3A_283] : memref<819200x768xf32, #tpu.memory_space<hbm>> -> memref<16x768xf32, #tpu.memory_space<hbm>>
    %dma_wait3A_285 = arith.constant 0 : i32
    %dma_wait3A_286 = arith.constant 0 : i32
    %dma_wait3A_287 = tpu.memref_slice %arg7[%dma_wait3A_285, %dma_wait3A_286] : memref<32x768xf32, #tpu.memory_space<vmem>> -> memref<16x768xf32, #tpu.memory_space<vmem>>
    tpu.wait_dma2 semaphore(%arg15 : memref<!tpu.dma_semaphore, #tpu.memory_space<semaphore_mem>>) src(%dma_wait3A_287 : memref<16x768xf32, #tpu.memory_space<vmem>>) dst(%dma_wait3A_284 : memref<16x768xf32, #tpu.memory_space<hbm>>)
    %add3A_288 = arith.constant 25504 : i32
    %add3A_289 = arith.addi %mul3A_2, %add3A_288 : i32
    %add3A_290 = arith.constant 16 : i32
    %add3A_291 = arith.addi %add3A_289, %add3A_290 : i32
    %dma_wait3A_292 = arith.constant 16 : i32
    %dma_wait3A_293 = arith.constant 0 : i32
    %dma_wait3A_294 = tpu.memref_slice %arg7[%dma_wait3A_292, %dma_wait3A_293] : memref<32x768xf32, #tpu.memory_space<vmem>> -> memref<16x768xf32, #tpu.memory_space<vmem>>
    %dma_wait3A_295 = arith.constant 0 : i32
    %dma_wait3A_296 = tpu.memref_slice %arg4[%add3A_291, %dma_wait3A_295] : memref<819200x768xf32, #tpu.memory_space<hbm>> -> memref<16x768xf32, #tpu.memory_space<hbm>>
    %dma_wait3A_297 = arith.constant 0 : i32
    %dma_wait3A_298 = tpu.memref_slice %arg4[%add3A_291, %dma_wait3A_297] : memref<819200x768xf32, #tpu.memory_space<hbm>> -> memref<16x768xf32, #tpu.memory_space<hbm>>
    %dma_wait3A_299 = arith.constant 16 : i32
    %dma_wait3A_300 = arith.constant 0 : i32
    %dma_wait3A_301 = tpu.memref_slice %arg7[%dma_wait3A_299, %dma_wait3A_300] : memref<32x768xf32, #tpu.memory_space<vmem>> -> memref<16x768xf32, #tpu.memory_space<vmem>>
    tpu.wait_dma2 semaphore(%arg15 : memref<!tpu.dma_semaphore, #tpu.memory_space<semaphore_mem>>) src(%dma_wait3A_301 : memref<16x768xf32, #tpu.memory_space<vmem>>) dst(%dma_wait3A_298 : memref<16x768xf32, #tpu.memory_space<hbm>>)
    %add3A_302 = arith.constant 25536 : i32
    %add3A_303 = arith.addi %mul3A_2, %add3A_302 : i32
    %add3A_304 = arith.constant 0 : i32
    %add3A_305 = arith.addi %add3A_303, %add3A_304 : i32
    %dma_wait3A_306 = arith.constant 0 : i32
    %dma_wait3A_307 = arith.constant 0 : i32
    %dma_wait3A_308 = tpu.memref_slice %arg8[%dma_wait3A_306, %dma_wait3A_307] : memref<32x768xf32, #tpu.memory_space<vmem>> -> memref<16x768xf32, #tpu.memory_space<vmem>>
    %dma_wait3A_309 = arith.constant 0 : i32
    %dma_wait3A_310 = tpu.memref_slice %arg4[%add3A_305, %dma_wait3A_309] : memref<819200x768xf32, #tpu.memory_space<hbm>> -> memref<16x768xf32, #tpu.memory_space<hbm>>
    %dma_wait3A_311 = arith.constant 0 : i32
    %dma_wait3A_312 = tpu.memref_slice %arg4[%add3A_305, %dma_wait3A_311] : memref<819200x768xf32, #tpu.memory_space<hbm>> -> memref<16x768xf32, #tpu.memory_space<hbm>>
    %dma_wait3A_313 = arith.constant 0 : i32
    %dma_wait3A_314 = arith.constant 0 : i32
    %dma_wait3A_315 = tpu.memref_slice %arg8[%dma_wait3A_313, %dma_wait3A_314] : memref<32x768xf32, #tpu.memory_space<vmem>> -> memref<16x768xf32, #tpu.memory_space<vmem>>
    tpu.wait_dma2 semaphore(%arg16 : memref<!tpu.dma_semaphore, #tpu.memory_space<semaphore_mem>>) src(%dma_wait3A_315 : memref<16x768xf32, #tpu.memory_space<vmem>>) dst(%dma_wait3A_312 : memref<16x768xf32, #tpu.memory_space<hbm>>)
    %add3A_316 = arith.constant 25536 : i32
    %add3A_317 = arith.addi %mul3A_2, %add3A_316 : i32
    %add3A_318 = arith.constant 16 : i32
    %add3A_319 = arith.addi %add3A_317, %add3A_318 : i32
    %dma_wait3A_320 = arith.constant 16 : i32
    %dma_wait3A_321 = arith.constant 0 : i32
    %dma_wait3A_322 = tpu.memref_slice %arg8[%dma_wait3A_320, %dma_wait3A_321] : memref<32x768xf32, #tpu.memory_space<vmem>> -> memref<16x768xf32, #tpu.memory_space<vmem>>
    %dma_wait3A_323 = arith.constant 0 : i32
    %dma_wait3A_324 = tpu.memref_slice %arg4[%add3A_319, %dma_wait3A_323] : memref<819200x768xf32, #tpu.memory_space<hbm>> -> memref<16x768xf32, #tpu.memory_space<hbm>>
    %dma_wait3A_325 = arith.constant 0 : i32
    %dma_wait3A_326 = tpu.memref_slice %arg4[%add3A_319, %dma_wait3A_325] : memref<819200x768xf32, #tpu.memory_space<hbm>> -> memref<16x768xf32, #tpu.memory_space<hbm>>
    %dma_wait3A_327 = arith.constant 16 : i32
    %dma_wait3A_328 = arith.constant 0 : i32
    %dma_wait3A_329 = tpu.memref_slice %arg8[%dma_wait3A_327, %dma_wait3A_328] : memref<32x768xf32, #tpu.memory_space<vmem>> -> memref<16x768xf32, #tpu.memory_space<vmem>>
    tpu.wait_dma2 semaphore(%arg16 : memref<!tpu.dma_semaphore, #tpu.memory_space<semaphore_mem>>) src(%dma_wait3A_329 : memref<16x768xf32, #tpu.memory_space<vmem>>) dst(%dma_wait3A_326 : memref<16x768xf32, #tpu.memory_space<hbm>>)
    %add3A_330 = arith.constant 25568 : i32
    %add3A_331 = arith.addi %mul3A_2, %add3A_330 : i32
    %add3A_332 = arith.constant 0 : i32
    %add3A_333 = arith.addi %add3A_331, %add3A_332 : i32
    %dma_wait3A_334 = arith.constant 0 : i32
    %dma_wait3A_335 = arith.constant 0 : i32
    %dma_wait3A_336 = tpu.memref_slice %arg9[%dma_wait3A_334, %dma_wait3A_335] : memref<32x768xf32, #tpu.memory_space<vmem>> -> memref<16x768xf32, #tpu.memory_space<vmem>>
    %dma_wait3A_337 = arith.constant 0 : i32
    %dma_wait3A_338 = tpu.memref_slice %arg4[%add3A_333, %dma_wait3A_337] : memref<819200x768xf32, #tpu.memory_space<hbm>> -> memref<16x768xf32, #tpu.memory_space<hbm>>
    %dma_wait3A_339 = arith.constant 0 : i32
    %dma_wait3A_340 = tpu.memref_slice %arg4[%add3A_333, %dma_wait3A_339] : memref<819200x768xf32, #tpu.memory_space<hbm>> -> memref<16x768xf32, #tpu.memory_space<hbm>>
    %dma_wait3A_341 = arith.constant 0 : i32
    %dma_wait3A_342 = arith.constant 0 : i32
    %dma_wait3A_343 = tpu.memref_slice %arg9[%dma_wait3A_341, %dma_wait3A_342] : memref<32x768xf32, #tpu.memory_space<vmem>> -> memref<16x768xf32, #tpu.memory_space<vmem>>
    tpu.wait_dma2 semaphore(%arg17 : memref<!tpu.dma_semaphore, #tpu.memory_space<semaphore_mem>>) src(%dma_wait3A_343 : memref<16x768xf32, #tpu.memory_space<vmem>>) dst(%dma_wait3A_340 : memref<16x768xf32, #tpu.memory_space<hbm>>)
    %add3A_344 = arith.constant 25568 : i32
    %add3A_345 = arith.addi %mul3A_2, %add3A_344 : i32
    %add3A_346 = arith.constant 16 : i32
    %add3A_347 = arith.addi %add3A_345, %add3A_346 : i32
    %dma_wait3A_348 = arith.constant 16 : i32
    %dma_wait3A_349 = arith.constant 0 : i32
    %dma_wait3A_350 = tpu.memref_slice %arg9[%dma_wait3A_348, %dma_wait3A_349] : memref<32x768xf32, #tpu.memory_space<vmem>> -> memref<16x768xf32, #tpu.memory_space<vmem>>
    %dma_wait3A_351 = arith.constant 0 : i32
    %dma_wait3A_352 = tpu.memref_slice %arg4[%add3A_347, %dma_wait3A_351] : memref<819200x768xf32, #tpu.memory_space<hbm>> -> memref<16x768xf32, #tpu.memory_space<hbm>>
    %dma_wait3A_353 = arith.constant 0 : i32
    %dma_wait3A_354 = tpu.memref_slice %arg4[%add3A_347, %dma_wait3A_353] : memref<819200x768xf32, #tpu.memory_space<hbm>> -> memref<16x768xf32, #tpu.memory_space<hbm>>
    %dma_wait3A_355 = arith.constant 16 : i32
    %dma_wait3A_356 = arith.constant 0 : i32
    %dma_wait3A_357 = tpu.memref_slice %arg9[%dma_wait3A_355, %dma_wait3A_356] : memref<32x768xf32, #tpu.memory_space<vmem>> -> memref<16x768xf32, #tpu.memory_space<vmem>>
    tpu.wait_dma2 semaphore(%arg17 : memref<!tpu.dma_semaphore, #tpu.memory_space<semaphore_mem>>) src(%dma_wait3A_357 : memref<16x768xf32, #tpu.memory_space<vmem>>) dst(%dma_wait3A_354 : memref<16x768xf32, #tpu.memory_space<hbm>>)
    return
  }
}

</mosaic_0001>

<sc_bundles>
// kernel: kernel.3.cloned.1.call-start
scs
__scs_entry_jumppad:
0x0: {  	(pc) =	sbr.rel $0x88, $3  }
0x1: {  	(tag) =	ssettag $0x0;
	lr =	simm.s32 $0x1  }
0x2: {  	[smem:$0x3F9F] =	sst lr;
	_ =	strace $0xD0000000  }
0x3: {  	_ = 	snop  }
0x4: {  	_ = 	snop  }
0x5: {  	_ = 	snop  }
0x6: {  	_ = 	snop  }
0x7: {  	_ = 	snop  }
__scs_overlays_trampoline_lowered:
0x8: {  	[smem:$0x3FAE] =	sst s0  }
0x9: {  	[smem:$0x3FAF] =	sst s1  }
0xa: {  	[smem:$0x3FB0] =	sst s2  }
0xb: {  	[smem:$0x3FB1] =	sst s3  }
0xc: {  	[smem:$0x3FB2] =	sst s4  }
0xd: {  	[smem:$0x3FB3] =	sst s5  }
0xe: {  	[smem:$0x3FB4] =	sst s6  }
0xf: {  	[smem:$0x3FB5] =	sst s7  }
0x10: {  	[smem:$0x3FB6] =	sst s8  }
0x11: {  	[smem:$0x3FB7] =	sst s9;
	s0 =	simm.s32 @!p0 $0x0  }
0x12: {  	s1 =	sld [smem:$0x3F9D];
	s0 =	simm.s32 @p0 $0x1  }
0x13: {  	[smem:$0x3FB8] =	sst s0;
	s0 =	simm.s32 @!p1 $0x0  }
0x14: {  	s2 =	sld [smem:$0x3F9C];
	s0 =	simm.s32 @p1 $0x1  }
0x15: {  	[smem:$0x3FB9] =	sst s0;
	s0 =	simm.s32 @!p2 $0x0  }
0x16: {  	s3 =	sld [smem:$0x3FDB];
	s0 =	simm.s32 @p2 $0x1  }
0x17: {  	s4 =	simm.s32 $0x1BF5;
	[smem:$0x3FBB] =	sst s0  }
0x18: {  	s0 =	sld [smem:$0x3F9E];
	_ =	swait.ge [sflag:s4], $0x0  }
0x19: {  	s7 =	sld [smem:$0x3F9F]  }
0x1a: {  	s8 =	sadd.s32 $0xFFFFE003, lr  }
0x1b: {  	s9 =	sadd.s32 $0xFFFFFEF7, lr;
	s5 =	simm.s32 $0xFFFFFFFF;
	p2 =	slt.u32 s8, $0xFFFFF086  }
0x1c: {  	p1 =	slt.u32 s9, $0xF7A;
	s5 =	simm.s32 @!p2 $0x0  }
0x1d: {  	s5 =	simm.s32 @p1 $0x1;
	p0 =	seq.s32 s7, s2  }
0x1e: {  	s7 =	smul.u32 @!p0 $0xF7A, s2;
	p2 =	seq.s32 @!p0 s5, $0x0  }
0x1f: {  	s9 =	smul.u32 $0xF7A, s1;
	s8 =	simm.s32 @!p0 $0x1BF5;
	p2 =	por !p2, p0  }
0x20: {  	[sflag:s8] =	ssyncset.s32 @!p0 $0xFFFFF086;
	s6 =	sadd.s32 @!p0 s3, s7;
	s7 =	simm.s32 @!p0 $0x108  }
0x21: {  	s3 =	sadd.s32 s3, s9;
	s6 =	sadd.s32 @!p0 $0x88, s6;
	s7 =	simm.s32 @p2 $0x1082  }
0x22: {  	[simem:s7], [sflag:s8] =	dma.local @!p0 [hbm:s6], $0xF7A  }
0x23: {  	s9 =	sor.u32 $0xD0000000, s2;
	s6 =	simm.s32 $0x108;
	_ =	swait.ge @!p0 [sflag:s8], $0x0  }
0x24: {  	s3 =	sadd.s32 $0x88, s3;
	s6 =	simm.s32 @!p1 $0x1082;
	[sflag:s4] =	ssyncset.s32 $0xFFFFF086  }
0x25: {  	[simem:s6], [sflag:s4] =	dma.local [hbm:s3], $0xF7A  }
0x26: {  	[smem:$0x3F9F] =	sst s1;
	(tag) =	ssettag s2;
	_ =	strace s9  }
0x27: {  	s1 =	sld [smem:$0x3FAF]  }
0x28: {  	s2 =	sld [smem:$0x3FB0]  }
0x29: {  	s4 =	sld [smem:$0x3FB2]  }
0x2a: {  	p0 =	seq.s32 s5, $0x0;
	s5 =	sld [smem:$0x3FB3]  }
0x2b: {  	s6 =	sld [smem:$0x3FB4]  }
0x2c: {  	s7 =	sld [smem:$0x3FB5]  }
0x2d: {  	s3 =	simm.s32 $0x108;
	s8 =	sld [smem:$0x3FB6]  }
0x2e: {  	s3 =	simm.s32 @!p0 $0x1082;
	s9 =	sld [smem:$0x3FB7]  }
0x2f: {  	lr =	sadd.s32 s0, s3;
	s0 =	sld [smem:$0x3FAE]  }
0x30: {  	s3 =	sld [smem:$0x3FB1]  }
0x31: {  	[smem:$0x3FBA] =	sst s10  }
0x32: {  	s10 =	sld [smem:$0x3FB8];
	_ =	sdelay $0x3  }
0x33: {  	p0 =	seq.s32 s10, $0x1;
	s10 =	sld [smem:$0x3FBA];
	_ =	sdelay $0x3  }
0x34: {  	[smem:$0x3FBA] =	sst s10  }
0x35: {  	s10 =	sld [smem:$0x3FB9];
	_ =	sdelay $0x3  }
0x36: {  	p1 =	seq.s32 s10, $0x1;
	s10 =	sld [smem:$0x3FBA];
	_ =	sdelay $0x3  }
0x37: {  	[smem:$0x3FBA] =	sst s10  }
0x38: {  	s10 =	sld [smem:$0x3FBB]  }
0x39: {  	_ = 	snop;
	(pc) =	sbr.ind lr, $3  }
0x3a: {  	_ = 	snop  }
0x3b: {  	_ = 	snop  }
0x3c: {  	p2 =	seq.s32 s10, $0x1;
	s10 =	sld [smem:$0x3FBA]  }
0x3d: {  	_ =	shalt  }
0x3e: {  	_ =	shalt  }
0x3f: {  	_ =	shalt  }
0x40: {  	_ =	shalt  }
0x41: {  	_ =	shalt  }
0x42: {  	_ =	shalt  }
0x43: {  	_ =	shalt  }
0x44: {  	_ =	shalt  }
0x45: {  	_ =	shalt  }
0x46: {  	_ =	shalt  }
0x47: {  	_ =	shalt  }
0x48: {  	_ =	shalt  }
0x49: {  	_ =	shalt  }
0x4a: {  	_ =	shalt  }
0x4b: {  	_ =	shalt  }
0x4c: {  	_ =	shalt  }
0x4d: {  	_ =	shalt  }
0x4e: {  	_ =	shalt  }
0x4f: {  	_ =	shalt  }
0x50: {  	_ =	shalt  }
0x51: {  	_ =	shalt  }
0x52: {  	_ =	shalt  }
0x53: {  	_ =	shalt  }
0x54: {  	_ =	shalt  }
0x55: {  	_ =	shalt  }
0x56: {  	_ =	shalt  }
0x57: {  	_ =	shalt  }
0x58: {  	_ =	shalt  }
0x59: {  	_ =	shalt  }
0x5a: {  	_ =	shalt  }
0x5b: {  	_ =	shalt  }
0x5c: {  	_ =	shalt  }
0x5d: {  	_ =	shalt  }
0x5e: {  	_ =	shalt  }
0x5f: {  	_ =	shalt  }
0x60: {  	_ =	shalt  }
0x61: {  	_ =	shalt  }
0x62: {  	_ =	shalt  }
0x63: {  	_ =	shalt  }
0x64: {  	_ =	shalt  }
0x65: {  	_ =	shalt  }
0x66: {  	_ =	shalt  }
0x67: {  	_ =	shalt  }
0x68: {  	_ =	shalt  }
0x69: {  	_ =	shalt  }
0x6a: {  	_ =	shalt  }
0x6b: {  	_ =	shalt  }
0x6c: {  	_ =	shalt  }
0x6d: {  	_ =	shalt  }
0x6e: {  	_ =	shalt  }
0x6f: {  	_ =	shalt  }
0x70: {  	_ =	shalt  }
0x71: {  	_ =	shalt  }
0x72: {  	_ =	shalt  }
0x73: {  	_ =	shalt  }
0x74: {  	_ =	shalt  }
0x75: {  	_ =	shalt  }
0x76: {  	_ =	shalt  }
0x77: {  	_ =	shalt  }
0x78: {  	_ =	shalt  }
0x79: {  	_ =	shalt  }
0x7a: {  	_ =	shalt  }
0x7b: {  	_ =	shalt  }
0x7c: {  	_ =	shalt  }
0x7d: {  	_ =	shalt  }
0x7e: {  	_ =	shalt  }
0x7f: {  	_ =	shalt  }
0x80: {  	_ =	shalt  }
0x81: {  	_ =	shalt  }
0x82: {  	_ =	shalt  }
0x83: {  	_ =	shalt  }
0x84: {  	_ =	shalt  }
0x85: {  	_ =	shalt  }
0x86: {  	_ =	shalt  }
0x87: {  	_ =	shalt  }
.Lfunc_end0:
.L_simem_size_0:
called_computation_lowered:
.L_overlay_start_0:
0x88: {  	s2 =	sld [smem:$0x3FD9]  }
0x89: {  	s3 =	sld [smem:$0x3FFE];
	_ =	sdelay $0x1  }
0x8a: {  	s1 =	srdreg.scid  }
0x8b: {  	s0 =	sand.u32 $0x1, s1  }
0x8c: {  	s17 =	sshll.u32 s0, $0xA;
	s2 =	sadd.s32 s3, s2  }
0x8d: {  	s2 =	sadd.s32 s2, s17  }
0x8e: {  	[smem:$0x3FC6] =	sst s2  }
0x8f: {  	_ = 	snop  }
0x90: {  	s2 =	sld [smem:$0x3FC8]  }
0x91: {  	s18 =	sld [smem:$0x3FD0];
	(tm) =	ssettm $0x1  }
0x92: {  	s4 =	sld [smem:$0x3FFB];
	_ =	sdelay $0x3  }
0x93: {  	_ =	strace s4  }
0x94: {  	s4 =	sld [smem:$0x3FFC];
	_ =	sdelay $0x3  }
0x95: {  	_ =	strace s4  }
0x96: {  	s4 =	sld [smem:$0x3FFD];
	_ =	sdelay $0x3  }
0x97: {  	_ =	strace s4  }
0x98: {  	_ =	strace $0x8FFFFFFF  }
0x99: {  	s19 =	sld [smem:$0x3FDB];
	_ =	sdelay $0x1  }
0x9a: {  	s5 =	simm.s32 $_scs_section_size  }
0x9b: {  	s6 =	simm.s32 $_size__tile_overlayer_lowered;
	s7 =	simm.s32 $_tile_overlayer_lowered  }
0x9c: {  	s22 =	simm.s32 $0x1BFF;
	s21 =	sshll.u32 s7, $0x1;
	s4 =	sadd.s32 s5, s19  }
0x9d: {  	s8 =	simm.s32 $0x0;
	s20 =	sshll.u32 s6, $0x1;
	s6 =	sadd.s32 s21, s4  }
0x9e: {  	[timem:s8], [sflag:s22] =	dma.local [hbm:s6], s20  }
0x9f: {  	_ =	swait.ge [sflag:s22], s20  }
0xa0: {  	s5 =	ssub.s32 $0x0, s20;
	[sflag:s22] =	ssyncset.done $0x0  }
0xa1: {  	[sflag:s22] =	ssyncadd.s32 s5;
	_ =	sdelay $0x1  }
0xa2: {  	s23 =	simm.s32 $0x1B8B  }
0xa3: {  	_ =	swait.ge [sflag:s23], $0x1  }
0xa4: {  	[sflag:s23] =	ssyncset.done $0x0  }
0xa5: {  	s25 =	simm.s32 $0x1B8E;
	s24 =	sld [smem:$0x3FFE];
	[sflag:s23] =	ssyncadd.s32 $0xFFFFFFFF  }
0xa6: {  	s26 =	simm.s32 $execute0_lowered;
	[smem:$0x3FD2] =	sst s25  }
0xa7: {  	s6 =	sshll.u32 s26, $0x1;
	_ =	strace $0x80000046;
	[dreg:$0x1] =	wrdreg $0xFFFFFFFF  }
0xa8: {  	s28 =	simm.s32 $_size_execute0_lowered;
	s4 =	sadd.s32 s4, s6;
	[dreg:$0x0] =	wrdreg $0x0  }
0xa9: {  	s6 =	sshll.u32 s28, $0x1;
	[dreg:$0x2] =	wrdreg s4  }
0xaa: {  	[dreg:$0x3] =	wrdreg s6  }
0xab: {  	[dreg:$0x4] =	wrdreg $0xC0  }
0xac: {  	_ =	task [dreg:s8], $0x5FFFF  }
0xad: {  	[dreg:$0x1] =	wrdreg $0xFFFFFFFF  }
0xae: {  	[dreg:$0x0] =	wrdreg $0x60  }
0xaf: {  	[dreg:$0x2] =	wrdreg s24  }
0xb0: {  	[dreg:$0x3] =	wrdreg s2  }
0xb1: {  	[dreg:$0x4] =	wrdreg s18  }
0xb2: {  	[dreg:$0x5] =	wrdreg $0x9  }
0xb3: {  	_ =	task.clear_ibuf [dreg:s8], $0x6FFFF;
	_ =	strace $0x90000046  }
0xb4: {  	s29 =	simm.s32 $0x9;
	_ =	strace $0x80000048  }
0xb5: {  	_ =	swait.ge [sflag:s29], $0x1  }
0xb6: {  	[sflag:s29] =	ssyncadd.s32 $0xFFFFFFFF  }
0xb7: {  	_ =	strace $0x90000048  }
0xb8: {  	_ =	sfence  }
0xb9: {  	s30 =	sld [smem:$0x0];
	_ =	sdelay $0x2  }
0xba: {  	s31 =	sshll.u32 s1, $0xD;
	s1 =	sshrl.u32 s1, $0x2  }
0xbb: {  	s3 =	sand.u32 $0x4000, s31;
	s1 =	sadd.s32 s1, s30  }
0xbc: {  	s0 =	sor.u32 s3, s0;
	s1 =	sshll.u32 s1, $0x11  }
0xbd: {  	s0 =	sor.u32 s1, s0  }
0xbe: {  	s0 =	sadd.s32 $0x8F2B, s0  }
0xbf: {  	[sflag:s0] =	ssyncadd.remote.s32 $0x1  }
0xc0: {  	_ =	sfence.sel $0xFFFF  }
0xc1: {  	[dreg:$0x0] =	wrdreg $0xFFFFFFFF;
	(pc) =	sbr.abs _section_cstart, $3  }
0xc2: {  	[dreg:$0x1] =	wrdreg $0xFFFFFFFF  }
0xc3: {  	_ =	task.clear_ibuf [dreg:s8], $0x2FFFF;
	_ =	strace $0x9FFFFFFF  }
0xc4: {  	(tm) =	ssettm $0x7FFFFFFF  }
0xc5: {  	_ =	shalt  }
tec
execute0_lowered:
.L_overlay_start_1:
0x0: {  	(tag) =	ssettag $0x1  }
0x1: {  	s0 =	srdreg.scid;
	s1 =	rddreg [dreg:$0x0]  }
0x2: {  	s8 =	stileid.u32;
	s2 =	rddreg [dreg:$0x1]  }
0x3: {  	s4 =	rddreg [dreg:$0x2];
	s11 =	simm.s32 $0x8400;
	s14 =	simm.s32 $0x9C00  }
0x4: {  	s29 =	simm.s32 $0xCC00;
	s30 =	simm.s32 $0xD400;
	s13 =	simm.s32 $0x12400  }
0x5: {  	s31 =	simm.s32 $0x2;
	s12 =	simm.s32 $0x1B400;
	s28 =	simm.s32 $0x8  }
0x6: {  	s0 =	sand.u32 $0x1, s0;
	s3 =	sshll.u32 s8, $0x1;
	s8 =	smul.u32 $0xC800, s8  }
0x7: {  	s3 =	sor.u32 s0, s3;
	s6 =	ssub.s32 $0x2, s0;
	s0 =	smul.u32 $0x6400, s0  }
0x8: {  	s5 =	smul.u32 $0x6400, s3;
	s3 =	simm.s32 $0x0;
	s15 =	sshrl.u32 s6, $0x1  }
0x9: {  	[smem:$0x7FF] =	sst s3;
	s9 =	ssub.s32 s6, s15;
	s6 =	sadd.s32 $0x200, s2  }
0xa: {  	s0 =	sadd.s32 s0, s8;
	s15 =	simm.s32 $0x1;
	s5 =	sshrl.u32 s5, $0x3  }
0xb: {  	_ =	strace $0x80000047;
	s20 =	sor.u32 $0x60, s0;
	s21 =	sor.u32 $0x40, s0  }
0xc: {  	s8 =	sor.u32 $0x80, s0;
	s0 =	sor.u32 $0xA0, s0;
	s26 =	smax.u32 s9, $0x1  }
0xd: {  	s9 =	simm.s32 $0x8C00;
	s7 =	smul.u32 $0x300, s5;
	s1 =	sadd.s32 s5, s1  }
0xe: {  	s5 =	sadd.s32 $0x100, s2;
	[dreg:$0x11] =	wrdreg s26;
	s1 =	sadd.s32 $0x400, s1  }
0xf: {  	s8 =	sshrl.u32 s8, $0x3;
	[dreg:$0x8] =	wrdreg s1;
	s10 =	sadd.s32 s4, s7  }
0x10: {  	s0 =	sshrl.u32 s0, $0x3;
	s16 =	sadd.s32 $0x600, s10;
	[dreg:$0x9] =	wrdreg s10  }
0x11: {  	s26 =	simm.s32 $0x7;
	s17 =	sadd.s32 $0xC00, s10;
	[dreg:$0xa] =	wrdreg s16  }
0x12: {  	s8 =	smul.u32 $0x300, s8;
	s18 =	sadd.s32 $0x1200, s10;
	[dreg:$0xb] =	wrdreg s17  }
0x13: {  	s0 =	smul.u32 $0x300, s0;
	s19 =	sadd.s32 $0x256800, s10;
	[dreg:$0xc] =	wrdreg s18  }
0x14: {  	s1 =	sshrl.u32 s20, $0x3;
	s7 =	sadd.s32 $0x256E00, s10;
	[dreg:$0xd] =	wrdreg s19  }
0x15: {  	s20 =	simm.s32 $0x3;
	s23 =	sadd.s32 $0x257400, s10;
	[dreg:$0xe] =	wrdreg s7  }
0x16: {  	s1 =	smul.u32 $0x300, s1;
	s25 =	sadd.s32 $0x257A00, s10;
	[dreg:$0xf] =	wrdreg s23  }
0x17: {  	s24 =	sadd.s32 s8, s4;
	s0 =	sadd.s32 s0, s4;
	[dreg:$0x10] =	wrdreg s25  }
0x18: {  	s8 =	simm.s32 $0x7400;
	s10 =	simm.s32 $0x7C00;
	[dreg:$0x6] =	wrdreg s24  }
0x19: {  	s7 =	sshrl.u32 s21, $0x3;
	[dreg:$0x7] =	wrdreg s0;
	s19 =	simm.s32 $0x6400  }
0x1a: {  	s23 =	simm.s32 $0x9400;
	s16 =	simm.s32 $0xA400;
	s18 =	simm.s32 $0xAC00  }
0x1b: {  	s17 =	simm.s32 $0xB400;
	s21 =	simm.s32 $0x5;
	s0 =	simm.s32 $0x0  }
0x1c: {  	s7 =	smul.u32 $0x300, s7;
	s1 =	sadd.s32 s1, s4;
	[dreg:$0x12] =	wrdreg s0  }
0x1d: {  	v2 =	vlaneseq.u32;
	s24 =	simm.s32 $0x4;
	s25 =	simm.s32 $0x6;
	[dreg:$0x4] =	wrdreg s1  }
0x1e: {  	vm0 =	vmmov $0xffff;
	v1 =	vshrl.u32 v2, $0x3;
	s1 =	simm.s32 $0x18400;
	s22 =	sadd.s32 s7, s4;
	s4 =	simm.s32 $0x6C00  }
0x1f: {  	v0 =	vand.u32 $0x7, v2;
	v2 =	vor.u32 $0x8, v2;
	v1 =	vmul.u32 $0x8, v1;
	s7 =	simm.s32 $0xBC00;
	[dreg:$0x5] =	wrdreg s22;
	s22 =	simm.s32 $0x15400  }
.LBB2_1:
0x20: {  	s0 =	rddreg [dreg:$0x8]  }
0x21: {  	[tilespmem:s3], [sflag:$0x9] =	stream.linear.gather [hbm4b:s0+s3], $0x6400, $0x38;
	[tilespmem:$0x1E400] =	vst v63  }
0x22: {  	s0 =	simm.s32 $0x9  }
0x23: {  	_ =	swait.ge [sflag:s0], $0x6400  }
0x24: {  	[sflag:s0] =	ssyncset.done $0x0  }
0x25: {  	[sflag:s0] =	ssyncadd.s32 $0xFFFF9C00  }
0x26: {  	v3 =	vld [tilespmem:$0x0];
	_ =	sdelay $0x4  }
0x27: {  	v4 =	vshrl.u32 v3, $0x3  }
0x28: {  	v4 =	vmul.u32 $0x30, v4  }
0x29: {  	v3 =	vand.u32 $0x7, v3  }
0x2a: {  	v3 =	vor.u32 v3, v4  }
0x2b: {  	v4 =	vperm.xlane v3, v0;
	_ =	sdelay $0x1  }
0x2c: {  	v4 =	vadd.s32 v1, v4;
	_ =	sdelay $0x3  }
0x2d: {  	v3 =	vperm.xlane v3, v2  }
0x2e: {  	[tilespmem:s19], [sflag:$0x1] =	stream.indirect_vreg.gather [hbm4b:s2+s3], $0x80, v4, vm0, $0xb8;
	[tilespmem:$0x1E400] =	vst v63  }
0x2f: {  	v3 =	vadd.s32 v1, v3  }
0x30: {  	[tilespmem:s4], [sflag:$0x1] =	stream.indirect_vreg.gather [hbm4b:s5+s3], $0x80, v4, vm0, $0xb8;
	[tilespmem:$0x1E400] =	vst v63  }
0x31: {  	_ = 	snop  }
0x32: {  	[tilespmem:s8], [sflag:$0x1] =	stream.indirect_vreg.gather [hbm4b:s6+s3], $0x80, v4, vm0, $0xb8;
	[tilespmem:$0x1E400] =	vst v63  }
0x33: {  	_ = 	snop  }
0x34: {  	[tilespmem:s10], [sflag:$0x1] =	stream.indirect_vreg.gather [hbm4b:s2+s3], $0x80, v3, vm0, $0xb8;
	[tilespmem:$0x1E400] =	vst v63  }
0x35: {  	_ = 	snop  }
0x36: {  	[tilespmem:s11], [sflag:$0x1] =	stream.indirect_vreg.gather [hbm4b:s5+s3], $0x80, v3, vm0, $0xb8;
	[tilespmem:$0x1E400] =	vst v63  }
0x37: {  	_ = 	snop  }
0x38: {  	[tilespmem:s9], [sflag:$0x1] =	stream.indirect_vreg.gather [hbm4b:s6+s3], $0x80, v3, vm0, $0xb8;
	[tilespmem:$0x1E400] =	vst v63  }
0x39: {  	v3 =	vld [tilespmem:$0x10];
	_ =	sdelay $0x4  }
0x3a: {  	v57 =	vshrl.u32 v3, $0x3  }
0x3b: {  	v4 =	vmul.u32 $0x30, v57  }
0x3c: {  	v3 =	vand.u32 $0x7, v3  }
0x3d: {  	v3 =	vor.u32 v3, v4  }
0x3e: {  	v4 =	vperm.xlane v3, v0;
	_ =	sdelay $0x1  }
0x3f: {  	v4 =	vadd.s32 v1, v4;
	_ =	sdelay $0x3  }
0x40: {  	v3 =	vperm.xlane v3, v2  }
0x41: {  	[tilespmem:s23], [sflag:$0x1] =	stream.indirect_vreg.gather [hbm4b:s2+s3], $0x80, v4, vm0, $0xb8;
	[tilespmem:$0x1E400] =	vst v63  }
0x42: {  	v3 =	vadd.s32 v1, v3  }
0x43: {  	[tilespmem:s14], [sflag:$0x1] =	stream.indirect_vreg.gather [hbm4b:s5+s3], $0x80, v4, vm0, $0xb8;
	[tilespmem:$0x1E400] =	vst v63  }
0x44: {  	_ = 	snop  }
0x45: {  	[tilespmem:s16], [sflag:$0x1] =	stream.indirect_vreg.gather [hbm4b:s6+s3], $0x80, v4, vm0, $0xb8;
	[tilespmem:$0x1E400] =	vst v63  }
0x46: {  	_ = 	snop  }
0x47: {  	[tilespmem:s18], [sflag:$0x1] =	stream.indirect_vreg.gather [hbm4b:s2+s3], $0x80, v3, vm0, $0xb8;
	[tilespmem:$0x1E400] =	vst v63  }
0x48: {  	_ = 	snop  }
0x49: {  	[tilespmem:s17], [sflag:$0x1] =	stream.indirect_vreg.gather [hbm4b:s5+s3], $0x80, v3, vm0, $0xb8;
	[tilespmem:$0x1E400] =	vst v63  }
0x4a: {  	_ = 	snop  }
0x4b: {  	[tilespmem:s7], [sflag:$0x1] =	stream.indirect_vreg.gather [hbm4b:s6+s3], $0x80, v3, vm0, $0xb8;
	[tilespmem:$0x1E400] =	vst v63  }
0x4c: {  	v3 =	vld [tilespmem:$0x20];
	_ =	sdelay $0x4  }
0x4d: {  	v58 =	vshrl.u32 v3, $0x3  }
0x4e: {  	v4 =	vmul.u32 $0x30, v58  }
0x4f: {  	v3 =	vand.u32 $0x7, v3  }
0x50: {  	v3 =	vor.u32 v3, v4  }
0x51: {  	v4 =	vperm.xlane v3, v0;
	_ =	sdelay $0x1  }
0x52: {  	v4 =	vadd.s32 v1, v4;
	_ =	sdelay $0x3  }
0x53: {  	s4 =	simm.s32 $0xC400;
	v3 =	vperm.xlane v3, v2  }
0x54: {  	[tilespmem:s4], [sflag:$0x2] =	stream.indirect_vreg.gather [hbm4b:s2+s3], $0x80, v4, vm0, $0xb8;
	[tilespmem:$0x1E400] =	vst v63  }
0x55: {  	v3 =	vadd.s32 v1, v3  }
0x56: {  	[tilespmem:s29], [sflag:$0x2] =	stream.indirect_vreg.gather [hbm4b:s5+s3], $0x80, v4, vm0, $0xb8;
	[tilespmem:$0x1E400] =	vst v63  }
0x57: {  	_ = 	snop  }
0x58: {  	[tilespmem:s30], [sflag:$0x2] =	stream.indirect_vreg.gather [hbm4b:s6+s3], $0x80, v4, vm0, $0xb8;
	[tilespmem:$0x1E400] =	vst v63  }
0x59: {  	s10 =	simm.s32 $0xDC00  }
0x5a: {  	[tilespmem:s10], [sflag:$0x2] =	stream.indirect_vreg.gather [hbm4b:s2+s3], $0x80, v3, vm0, $0xb8;
	[tilespmem:$0x1E400] =	vst v63  }
0x5b: {  	s11 =	simm.s32 $0xE400  }
0x5c: {  	[tilespmem:s11], [sflag:$0x2] =	stream.indirect_vreg.gather [hbm4b:s5+s3], $0x80, v3, vm0, $0xb8;
	[tilespmem:$0x1E400] =	vst v63  }
0x5d: {  	s14 =	simm.s32 $0xEC00  }
0x5e: {  	[tilespmem:s14], [sflag:$0x2] =	stream.indirect_vreg.gather [hbm4b:s6+s3], $0x80, v3, vm0, $0xb8;
	[tilespmem:$0x1E400] =	vst v63  }
0x5f: {  	v3 =	vld [tilespmem:$0x30];
	_ =	sdelay $0x4  }
0x60: {  	v59 =	vshrl.u32 v3, $0x3  }
0x61: {  	v4 =	vmul.u32 $0x30, v59  }
0x62: {  	v3 =	vand.u32 $0x7, v3  }
0x63: {  	v3 =	vor.u32 v3, v4  }
0x64: {  	v4 =	vperm.xlane v3, v0;
	_ =	sdelay $0x1  }
0x65: {  	v4 =	vadd.s32 v1, v4;
	_ =	sdelay $0x3  }
0x66: {  	s10 =	simm.s32 $0xF400;
	v3 =	vperm.xlane v3, v2  }
0x67: {  	[tilespmem:s10], [sflag:$0x2] =	stream.indirect_vreg.gather [hbm4b:s2+s3], $0x80, v4, vm0, $0xb8;
	[tilespmem:$0x1E400] =	vst v63  }
0x68: {  	s16 =	simm.s32 $0xFC00;
	v3 =	vadd.s32 v1, v3  }
0x69: {  	[tilespmem:s16], [sflag:$0x2] =	stream.indirect_vreg.gather [hbm4b:s5+s3], $0x80, v4, vm0, $0xb8;
	[tilespmem:$0x1E400] =	vst v63  }
0x6a: {  	s17 =	simm.s32 $0x10400  }
0x6b: {  	[tilespmem:s17], [sflag:$0x2] =	stream.indirect_vreg.gather [hbm4b:s6+s3], $0x80, v4, vm0, $0xb8;
	[tilespmem:$0x1E400] =	vst v63  }
0x6c: {  	s18 =	simm.s32 $0x10C00  }
0x6d: {  	[tilespmem:s18], [sflag:$0x2] =	stream.indirect_vreg.gather [hbm4b:s2+s3], $0x80, v3, vm0, $0xb8;
	[tilespmem:$0x1E400] =	vst v63  }
0x6e: {  	s7 =	simm.s32 $0x11400  }
0x6f: {  	[tilespmem:s7], [sflag:$0x2] =	stream.indirect_vreg.gather [hbm4b:s5+s3], $0x80, v3, vm0, $0xb8;
	[tilespmem:$0x1E400] =	vst v63  }
0x70: {  	s8 =	simm.s32 $0x11C00  }
0x71: {  	[tilespmem:s8], [sflag:$0x2] =	stream.indirect_vreg.gather [hbm4b:s6+s3], $0x80, v3, vm0, $0xb8;
	[tilespmem:$0x1E400] =	vst v63  }
0x72: {  	_ =	swait.ge [sflag:s15], $0x3000  }
0x73: {  	[sflag:s15] =	ssyncset.done $0x0  }
0x74: {  	[sflag:s15] =	ssyncadd.s32 $0xFFFFD000  }
0x75: {  	_ =	swait.ge [sflag:s15], $0x3000  }
0x76: {  	[sflag:s15] =	ssyncset.done $0x0  }
0x77: {  	s9 =	rddreg [dreg:$0x9];
	[sflag:s15] =	ssyncadd.s32 $0xFFFFD000  }
0x78: {  	[hbm4b:s9+s3] =	stream.linear.scatter [tilespmem:s19], [sflag:$0x5], $0x3000, $0x38;
	[tilespmem:$0x1E400] =	vst v63  }
0x79: {  	s11 =	rddreg [dreg:$0xa]  }
0x7a: {  	[hbm4b:s11+s3] =	stream.linear.scatter [tilespmem:s23], [sflag:$0x5], $0x3000, $0x38;
	[tilespmem:$0x1E400] =	vst v63  }
0x7b: {  	v3 =	vld [tilespmem:$0x40];
	_ =	sdelay $0x4  }
0x7c: {  	v60 =	vshrl.u32 v3, $0x3  }
0x7d: {  	v4 =	vmul.u32 $0x30, v60  }
0x7e: {  	v3 =	vand.u32 $0x7, v3  }
0x7f: {  	v3 =	vor.u32 v3, v4  }
0x80: {  	v4 =	vperm.xlane v3, v0;
	_ =	sdelay $0x1  }
0x81: {  	v4 =	vadd.s32 v1, v4;
	_ =	sdelay $0x3  }
0x82: {  	v3 =	vperm.xlane v3, v2  }
0x83: {  	[tilespmem:s13], [sflag:$0x3] =	stream.indirect_vreg.gather [hbm4b:s2+s3], $0x80, v4, vm0, $0xb8;
	[tilespmem:$0x1E400] =	vst v63  }
0x84: {  	v3 =	vadd.s32 v1, v3;
	s13 =	simm.s32 $0x12C00  }
0x85: {  	[tilespmem:s13], [sflag:$0x3] =	stream.indirect_vreg.gather [hbm4b:s5+s3], $0x80, v4, vm0, $0xb8;
	[tilespmem:$0x1E400] =	vst v63  }
0x86: {  	s14 =	simm.s32 $0x13400  }
0x87: {  	[tilespmem:s14], [sflag:$0x3] =	stream.indirect_vreg.gather [hbm4b:s6+s3], $0x80, v4, vm0, $0xb8;
	[tilespmem:$0x1E400] =	vst v63  }
0x88: {  	s16 =	simm.s32 $0x13C00  }
0x89: {  	[tilespmem:s16], [sflag:$0x3] =	stream.indirect_vreg.gather [hbm4b:s2+s3], $0x80, v3, vm0, $0xb8;
	[tilespmem:$0x1E400] =	vst v63  }
0x8a: {  	s17 =	simm.s32 $0x14400  }
0x8b: {  	[tilespmem:s17], [sflag:$0x3] =	stream.indirect_vreg.gather [hbm4b:s5+s3], $0x80, v3, vm0, $0xb8;
	[tilespmem:$0x1E400] =	vst v63  }
0x8c: {  	s18 =	simm.s32 $0x14C00  }
0x8d: {  	[tilespmem:s18], [sflag:$0x3] =	stream.indirect_vreg.gather [hbm4b:s6+s3], $0x80, v3, vm0, $0xb8;
	[tilespmem:$0x1E400] =	vst v63  }
0x8e: {  	v3 =	vld [tilespmem:$0x50];
	_ =	sdelay $0x4  }
0x8f: {  	v61 =	vshrl.u32 v3, $0x3  }
0x90: {  	v4 =	vmul.u32 $0x30, v61  }
0x91: {  	v3 =	vand.u32 $0x7, v3  }
0x92: {  	v3 =	vor.u32 v3, v4  }
0x93: {  	v4 =	vperm.xlane v3, v0;
	_ =	sdelay $0x1  }
0x94: {  	v4 =	vadd.s32 v1, v4;
	_ =	sdelay $0x3  }
0x95: {  	v3 =	vperm.xlane v3, v2  }
0x96: {  	[tilespmem:s22], [sflag:$0x3] =	stream.indirect_vreg.gather [hbm4b:s2+s3], $0x80, v4, vm0, $0xb8;
	[tilespmem:$0x1E400] =	vst v63  }
0x97: {  	s19 =	simm.s32 $0x15C00;
	v3 =	vadd.s32 v1, v3  }
0x98: {  	[tilespmem:s19], [sflag:$0x3] =	stream.indirect_vreg.gather [hbm4b:s5+s3], $0x80, v4, vm0, $0xb8;
	[tilespmem:$0x1E400] =	vst v63  }
0x99: {  	s23 =	simm.s32 $0x16400  }
0x9a: {  	[tilespmem:s23], [sflag:$0x3] =	stream.indirect_vreg.gather [hbm4b:s6+s3], $0x80, v4, vm0, $0xb8;
	[tilespmem:$0x1E400] =	vst v63  }
0x9b: {  	s7 =	simm.s32 $0x16C00  }
0x9c: {  	[tilespmem:s7], [sflag:$0x3] =	stream.indirect_vreg.gather [hbm4b:s2+s3], $0x80, v3, vm0, $0xb8;
	[tilespmem:$0x1E400] =	vst v63  }
0x9d: {  	s8 =	simm.s32 $0x17400  }
0x9e: {  	[tilespmem:s8], [sflag:$0x3] =	stream.indirect_vreg.gather [hbm4b:s5+s3], $0x80, v3, vm0, $0xb8;
	[tilespmem:$0x1E400] =	vst v63  }
0x9f: {  	s9 =	simm.s32 $0x17C00  }
0xa0: {  	[tilespmem:s9], [sflag:$0x3] =	stream.indirect_vreg.gather [hbm4b:s6+s3], $0x80, v3, vm0, $0xb8;
	[tilespmem:$0x1E400] =	vst v63  }
0xa1: {  	_ =	swait.ge [sflag:s31], $0x3000  }
0xa2: {  	[sflag:s31] =	ssyncset.done $0x0  }
0xa3: {  	[sflag:s31] =	ssyncadd.s32 $0xFFFFD000  }
0xa4: {  	_ =	swait.ge [sflag:s31], $0x3000  }
0xa5: {  	[sflag:s31] =	ssyncset.done $0x0  }
0xa6: {  	s11 =	rddreg [dreg:$0xb];
	[sflag:s31] =	ssyncadd.s32 $0xFFFFD000  }
0xa7: {  	[hbm4b:s11+s3] =	stream.linear.scatter [tilespmem:s4], [sflag:$0x6], $0x3000, $0x38;
	[tilespmem:$0x1E400] =	vst v63  }
0xa8: {  	s13 =	rddreg [dreg:$0xc]  }
0xa9: {  	[hbm4b:s13+s3] =	stream.linear.scatter [tilespmem:s10], [sflag:$0x6], $0x3000, $0x38;
	[tilespmem:$0x1E400] =	vst v63  }
0xaa: {  	v3 =	vld [tilespmem:$0x60];
	_ =	sdelay $0x4  }
0xab: {  	v62 =	vshrl.u32 v3, $0x3  }
0xac: {  	v4 =	vmul.u32 $0x30, v62  }
0xad: {  	v3 =	vand.u32 $0x7, v3  }
0xae: {  	v3 =	vor.u32 v3, v4  }
0xaf: {  	v4 =	vperm.xlane v3, v0;
	_ =	sdelay $0x1  }
0xb0: {  	v4 =	vadd.s32 v1, v4;
	_ =	sdelay $0x3  }
0xb1: {  	v3 =	vperm.xlane v3, v2  }
0xb2: {  	[tilespmem:s1], [sflag:$0x4] =	stream.indirect_vreg.gather [hbm4b:s2+s3], $0x80, v4, vm0, $0xb8;
	[tilespmem:$0x1E400] =	vst v63  }
0xb3: {  	s14 =	simm.s32 $0x18C00;
	v3 =	vadd.s32 v1, v3  }
0xb4: {  	[tilespmem:s14], [sflag:$0x4] =	stream.indirect_vreg.gather [hbm4b:s5+s3], $0x80, v4, vm0, $0xb8;
	[tilespmem:$0x1E400] =	vst v63  }
0xb5: {  	s16 =	simm.s32 $0x19400  }
0xb6: {  	[tilespmem:s16], [sflag:$0x4] =	stream.indirect_vreg.gather [hbm4b:s6+s3], $0x80, v4, vm0, $0xb8;
	[tilespmem:$0x1E400] =	vst v63  }
0xb7: {  	s17 =	simm.s32 $0x19C00  }
0xb8: {  	[tilespmem:s17], [sflag:$0x4] =	stream.indirect_vreg.gather [hbm4b:s2+s3], $0x80, v3, vm0, $0xb8;
	[tilespmem:$0x1E400] =	vst v63  }
0xb9: {  	s18 =	simm.s32 $0x1A400  }
0xba: {  	[tilespmem:s18], [sflag:$0x4] =	stream.indirect_vreg.gather [hbm4b:s5+s3], $0x80, v3, vm0, $0xb8;
	[tilespmem:$0x1E400] =	vst v63  }
0xbb: {  	s19 =	simm.s32 $0x1AC00  }
0xbc: {  	[tilespmem:s19], [sflag:$0x4] =	stream.indirect_vreg.gather [hbm4b:s6+s3], $0x80, v3, vm0, $0xb8;
	[tilespmem:$0x1E400] =	vst v63  }
0xbd: {  	v3 =	vld [tilespmem:$0x70];
	_ =	sdelay $0x4  }
0xbe: {  	v63 =	vshrl.u32 v3, $0x3  }
0xbf: {  	v4 =	vmul.u32 $0x30, v63  }
0xc0: {  	v3 =	vand.u32 $0x7, v3  }
0xc1: {  	v3 =	vor.u32 v3, v4  }
0xc2: {  	v4 =	vperm.xlane v3, v0;
	_ =	sdelay $0x1  }
0xc3: {  	v4 =	vadd.s32 v1, v4;
	_ =	sdelay $0x3  }
0xc4: {  	v3 =	vperm.xlane v3, v2  }
0xc5: {  	[tilespmem:s12], [sflag:$0x4] =	stream.indirect_vreg.gather [hbm4b:s2+s3], $0x80, v4, vm0, $0xb8;
	[tilespmem:$0x1E400] =	vst v63  }
0xc6: {  	s23 =	simm.s32 $0x1BC00;
	v3 =	vadd.s32 v1, v3  }
0xc7: {  	[tilespmem:s23], [sflag:$0x4] =	stream.indirect_vreg.gather [hbm4b:s5+s3], $0x80, v4, vm0, $0xb8;
	[tilespmem:$0x1E400] =	vst v63  }
0xc8: {  	s0 =	simm.s32 $0x0;
	s29 =	simm.s32 $0xF0;
	s19 =	simm.s32 $0x1C400  }
0xc9: {  	[tilespmem:s19], [sflag:$0x4] =	stream.indirect_vreg.gather [hbm4b:s6+s3], $0x80, v4, vm0, $0xb8;
	[tilespmem:$0x1E400] =	vst v63  }
0xca: {  	s30 =	simm.s32 $0x9400;
	s7 =	simm.s32 $0xD400;
	s8 =	simm.s32 $0x1CC00  }
0xcb: {  	[tilespmem:s8], [sflag:$0x4] =	stream.indirect_vreg.gather [hbm4b:s2+s3], $0x80, v3, vm0, $0xb8;
	[tilespmem:$0x1E400] =	vst v63  }
0xcc: {  	s9 =	simm.s32 $0xC400;
	s11 =	simm.s32 $0x1D400;
	s14 =	simm.s32 $0x1DC00  }
0xcd: {  	[tilespmem:s11], [sflag:$0x4] =	stream.indirect_vreg.gather [hbm4b:s5+s3], $0x80, v3, vm0, $0xb8;
	[tilespmem:$0x1E400] =	vst v63  }
0xce: {  	s17 =	simm.s32 $0xB400;
	s18 =	simm.s32 $0xA400;
	s23 =	simm.s32 $0x6400  }
0xcf: {  	[tilespmem:s14], [sflag:$0x4] =	stream.indirect_vreg.gather [hbm4b:s6+s3], $0x80, v3, vm0, $0xb8;
	[tilespmem:$0x1E400] =	vst v63  }
.LBB2_2:
0xd0: {  	_ =	swait.ge [sflag:s20], $0x3000  }
0xd1: {  	[sflag:s20] =	ssyncset.done $0x0  }
0xd2: {  	[sflag:s20] =	ssyncadd.s32 $0xFFFFD000  }
0xd3: {  	_ =	swait.ge [sflag:s20], $0x3000  }
0xd4: {  	s4 =	rddreg [dreg:$0x5];
	[sflag:s20] =	ssyncset.done $0x0  }
0xd5: {  	s16 =	simm.s32 $0x12400;
	[sflag:s20] =	ssyncadd.s32 $0xFFFFD000;
	s4 =	sadd.s32 s0, s4  }
0xd6: {  	[hbm4b:s4+s3] =	stream.linear.scatter [tilespmem:s16], [sflag:$0x7], $0x3000, $0x38;
	[tilespmem:$0x1E400] =	vst v63  }
0xd7: {  	s4 =	sadd.s32 $0x600, s4  }
0xd8: {  	[hbm4b:s4+s3] =	stream.linear.scatter [tilespmem:s22], [sflag:$0x7], $0x3000, $0x38;
	[tilespmem:$0x1E400] =	vst v63  }
0xd9: {  	_ =	swait.ge [sflag:s21], $0x3000  }
0xda: {  	[sflag:s21] =	ssyncset.done $0x0  }
0xdb: {  	[sflag:s21] =	ssyncadd.s32 $0xFFFFD000  }
0xdc: {  	_ =	swait.ge [sflag:s21], $0x3000  }
0xdd: {  	[sflag:s21] =	ssyncset.done $0x0  }
0xde: {  	[sflag:s21] =	ssyncadd.s32 $0xFFFFD000  }
0xdf: {  	v3 =	vld [tilespmem:s29+$0xFFFFFF90];
	_ =	sdelay $0x4  }
0xe0: {  	v4 =	vshrl.u32 v3, $0x3  }
0xe1: {  	v4 =	vmul.u32 $0x30, v4  }
0xe2: {  	v3 =	vand.u32 $0x7, v3  }
0xe3: {  	v3 =	vor.u32 v3, v4  }
0xe4: {  	v4 =	vperm.xlane v3, v0;
	_ =	sdelay $0x1  }
0xe5: {  	v4 =	vadd.s32 v1, v4;
	_ =	sdelay $0x3  }
0xe6: {  	v3 =	vperm.xlane v3, v2  }
0xe7: {  	[tilespmem:s23], [sflag:$0x1] =	stream.indirect_vreg.gather [hbm4b:s2+s3], $0x80, v4, vm0, $0xb8;
	[tilespmem:$0x1E400] =	vst v63  }
0xe8: {  	s13 =	simm.s32 $0x6C00;
	v3 =	vadd.s32 v1, v3  }
0xe9: {  	[tilespmem:s13], [sflag:$0x1] =	stream.indirect_vreg.gather [hbm4b:s5+s3], $0x80, v4, vm0, $0xb8;
	[tilespmem:$0x1E400] =	vst v63  }
0xea: {  	s13 =	simm.s32 $0x7400  }
0xeb: {  	[tilespmem:s13], [sflag:$0x1] =	stream.indirect_vreg.gather [hbm4b:s6+s3], $0x80, v4, vm0, $0xb8;
	[tilespmem:$0x1E400] =	vst v63  }
0xec: {  	s13 =	simm.s32 $0x7C00  }
0xed: {  	[tilespmem:s13], [sflag:$0x1] =	stream.indirect_vreg.gather [hbm4b:s2+s3], $0x80, v3, vm0, $0xb8;
	[tilespmem:$0x1E400] =	vst v63  }
0xee: {  	s13 =	simm.s32 $0x8400  }
0xef: {  	[tilespmem:s13], [sflag:$0x1] =	stream.indirect_vreg.gather [hbm4b:s5+s3], $0x80, v3, vm0, $0xb8;
	[tilespmem:$0x1E400] =	vst v63  }
0xf0: {  	s13 =	simm.s32 $0x8C00  }
0xf1: {  	[tilespmem:s13], [sflag:$0x1] =	stream.indirect_vreg.gather [hbm4b:s6+s3], $0x80, v3, vm0, $0xb8;
	[tilespmem:$0x1E400] =	vst v63  }
0xf2: {  	v3 =	vld [tilespmem:s29+$0xFFFFFFA0];
	_ =	sdelay $0x4  }
0xf3: {  	v57 =	vshrl.u32 v3, $0x3  }
0xf4: {  	v4 =	vmul.u32 $0x30, v57  }
0xf5: {  	v3 =	vand.u32 $0x7, v3  }
0xf6: {  	v3 =	vor.u32 v3, v4  }
0xf7: {  	v4 =	vperm.xlane v3, v0;
	_ =	sdelay $0x1  }
0xf8: {  	v4 =	vadd.s32 v1, v4;
	_ =	sdelay $0x3  }
0xf9: {  	v3 =	vperm.xlane v3, v2  }
0xfa: {  	[tilespmem:s30], [sflag:$0x1] =	stream.indirect_vreg.gather [hbm4b:s2+s3], $0x80, v4, vm0, $0xb8;
	[tilespmem:$0x1E400] =	vst v63  }
0xfb: {  	s13 =	simm.s32 $0x9C00;
	v3 =	vadd.s32 v1, v3  }
0xfc: {  	[tilespmem:s13], [sflag:$0x1] =	stream.indirect_vreg.gather [hbm4b:s5+s3], $0x80, v4, vm0, $0xb8;
	[tilespmem:$0x1E400] =	vst v63  }
0xfd: {  	_ = 	snop  }
0xfe: {  	[tilespmem:s18], [sflag:$0x1] =	stream.indirect_vreg.gather [hbm4b:s6+s3], $0x80, v4, vm0, $0xb8;
	[tilespmem:$0x1E400] =	vst v63  }
0xff: {  	s13 =	simm.s32 $0xAC00  }
0x100: {  	[tilespmem:s13], [sflag:$0x1] =	stream.indirect_vreg.gather [hbm4b:s2+s3], $0x80, v3, vm0, $0xb8;
	[tilespmem:$0x1E400] =	vst v63  }
0x101: {  	_ = 	snop  }
0x102: {  	[tilespmem:s17], [sflag:$0x1] =	stream.indirect_vreg.gather [hbm4b:s5+s3], $0x80, v3, vm0, $0xb8;
	[tilespmem:$0x1E400] =	vst v63  }
0x103: {  	s13 =	simm.s32 $0xBC00  }
0x104: {  	[tilespmem:s13], [sflag:$0x1] =	stream.indirect_vreg.gather [hbm4b:s6+s3], $0x80, v3, vm0, $0xb8;
	[tilespmem:$0x1E400] =	vst v63  }
0x105: {  	_ =	swait.ge [sflag:s24], $0x3000  }
0x106: {  	[sflag:s24] =	ssyncset.done $0x0  }
0x107: {  	[sflag:s24] =	ssyncadd.s32 $0xFFFFD000  }
0x108: {  	_ =	swait.ge [sflag:s24], $0x3000  }
0x109: {  	s13 =	rddreg [dreg:$0x4];
	[sflag:s24] =	ssyncset.done $0x0  }
0x10a: {  	[sflag:s24] =	ssyncadd.s32 $0xFFFFD000;
	s4 =	sadd.s32 s0, s13  }
0x10b: {  	[hbm4b:s4+s3] =	stream.linear.scatter [tilespmem:s1], [sflag:$0x8], $0x3000, $0x38;
	[tilespmem:$0x1E400] =	vst v63  }
0x10c: {  	s4 =	sadd.s32 $0x600, s4  }
0x10d: {  	[hbm4b:s4+s3] =	stream.linear.scatter [tilespmem:s12], [sflag:$0x8], $0x3000, $0x38;
	[tilespmem:$0x1E400] =	vst v63  }
0x10e: {  	_ =	swait.ge [sflag:s25], $0x3000  }
0x10f: {  	[sflag:s25] =	ssyncset.done $0x0  }
0x110: {  	[sflag:s25] =	ssyncadd.s32 $0xFFFFD000  }
0x111: {  	_ =	swait.ge [sflag:s25], $0x3000  }
0x112: {  	[sflag:s25] =	ssyncset.done $0x0  }
0x113: {  	[sflag:s25] =	ssyncadd.s32 $0xFFFFD000  }
0x114: {  	v3 =	vld [tilespmem:s29+$0xFFFFFFB0];
	_ =	sdelay $0x4  }
0x115: {  	v58 =	vshrl.u32 v3, $0x3  }
0x116: {  	v4 =	vmul.u32 $0x30, v58  }
0x117: {  	v3 =	vand.u32 $0x7, v3  }
0x118: {  	v3 =	vor.u32 v3, v4  }
0x119: {  	v4 =	vperm.xlane v3, v0;
	_ =	sdelay $0x1  }
0x11a: {  	v4 =	vadd.s32 v1, v4;
	_ =	sdelay $0x3  }
0x11b: {  	v3 =	vperm.xlane v3, v2  }
0x11c: {  	[tilespmem:s9], [sflag:$0x2] =	stream.indirect_vreg.gather [hbm4b:s2+s3], $0x80, v4, vm0, $0xb8;
	[tilespmem:$0x1E400] =	vst v63  }
0x11d: {  	s13 =	simm.s32 $0xCC00;
	v3 =	vadd.s32 v1, v3  }
0x11e: {  	[tilespmem:s13], [sflag:$0x2] =	stream.indirect_vreg.gather [hbm4b:s5+s3], $0x80, v4, vm0, $0xb8;
	[tilespmem:$0x1E400] =	vst v63  }
0x11f: {  	_ = 	snop  }
0x120: {  	[tilespmem:s7], [sflag:$0x2] =	stream.indirect_vreg.gather [hbm4b:s6+s3], $0x80, v4, vm0, $0xb8;
	[tilespmem:$0x1E400] =	vst v63  }
0x121: {  	s13 =	simm.s32 $0xDC00  }
0x122: {  	[tilespmem:s13], [sflag:$0x2] =	stream.indirect_vreg.gather [hbm4b:s2+s3], $0x80, v3, vm0, $0xb8;
	[tilespmem:$0x1E400] =	vst v63  }
0x123: {  	s13 =	simm.s32 $0xE400  }
0x124: {  	[tilespmem:s13], [sflag:$0x2] =	stream.indirect_vreg.gather [hbm4b:s5+s3], $0x80, v3, vm0, $0xb8;
	[tilespmem:$0x1E400] =	vst v63  }
0x125: {  	s13 =	simm.s32 $0xEC00  }
0x126: {  	[tilespmem:s13], [sflag:$0x2] =	stream.indirect_vreg.gather [hbm4b:s6+s3], $0x80, v3, vm0, $0xb8;
	[tilespmem:$0x1E400] =	vst v63  }
0x127: {  	v3 =	vld [tilespmem:s29+$0xFFFFFFC0];
	_ =	sdelay $0x4  }
0x128: {  	v59 =	vshrl.u32 v3, $0x3  }
0x129: {  	v4 =	vmul.u32 $0x30, v59  }
0x12a: {  	v3 =	vand.u32 $0x7, v3  }
0x12b: {  	v3 =	vor.u32 v3, v4  }
0x12c: {  	v4 =	vperm.xlane v3, v0;
	_ =	sdelay $0x1  }
0x12d: {  	v4 =	vadd.s32 v1, v4;
	_ =	sdelay $0x3  }
0x12e: {  	v3 =	vperm.xlane v3, v2  }
0x12f: {  	[tilespmem:s10], [sflag:$0x2] =	stream.indirect_vreg.gather [hbm4b:s2+s3], $0x80, v4, vm0, $0xb8;
	[tilespmem:$0x1E400] =	vst v63  }
0x130: {  	s13 =	simm.s32 $0xFC00;
	v3 =	vadd.s32 v1, v3  }
0x131: {  	[tilespmem:s13], [sflag:$0x2] =	stream.indirect_vreg.gather [hbm4b:s5+s3], $0x80, v4, vm0, $0xb8;
	[tilespmem:$0x1E400] =	vst v63  }
0x132: {  	s13 =	simm.s32 $0x10400  }
0x133: {  	[tilespmem:s13], [sflag:$0x2] =	stream.indirect_vreg.gather [hbm4b:s6+s3], $0x80, v4, vm0, $0xb8;
	[tilespmem:$0x1E400] =	vst v63  }
0x134: {  	s13 =	simm.s32 $0x10C00  }
0x135: {  	[tilespmem:s13], [sflag:$0x2] =	stream.indirect_vreg.gather [hbm4b:s2+s3], $0x80, v3, vm0, $0xb8;
	[tilespmem:$0x1E400] =	vst v63  }
0x136: {  	s13 =	simm.s32 $0x11400  }
0x137: {  	[tilespmem:s13], [sflag:$0x2] =	stream.indirect_vreg.gather [hbm4b:s5+s3], $0x80, v3, vm0, $0xb8;
	[tilespmem:$0x1E400] =	vst v63  }
0x138: {  	s13 =	simm.s32 $0x11C00  }
0x139: {  	[tilespmem:s13], [sflag:$0x2] =	stream.indirect_vreg.gather [hbm4b:s6+s3], $0x80, v3, vm0, $0xb8;
	[tilespmem:$0x1E400] =	vst v63  }
0x13a: {  	_ =	swait.ge [sflag:s15], $0x3000  }
0x13b: {  	[sflag:s15] =	ssyncset.done $0x0  }
0x13c: {  	[sflag:s15] =	ssyncadd.s32 $0xFFFFD000  }
0x13d: {  	_ =	swait.ge [sflag:s15], $0x3000  }
0x13e: {  	s13 =	rddreg [dreg:$0x6];
	[sflag:s15] =	ssyncset.done $0x0  }
0x13f: {  	[sflag:s15] =	ssyncadd.s32 $0xFFFFD000;
	s4 =	sadd.s32 s0, s13  }
0x140: {  	[hbm4b:s4+s3] =	stream.linear.scatter [tilespmem:s23], [sflag:$0x5], $0x3000, $0x38;
	[tilespmem:$0x1E400] =	vst v63  }
0x141: {  	s4 =	sadd.s32 $0x600, s4  }
0x142: {  	[hbm4b:s4+s3] =	stream.linear.scatter [tilespmem:s30], [sflag:$0x5], $0x3000, $0x38;
	[tilespmem:$0x1E400] =	vst v63  }
0x143: {  	_ =	swait.ge [sflag:s26], $0x3000  }
0x144: {  	[sflag:s26] =	ssyncset.done $0x0  }
0x145: {  	[sflag:s26] =	ssyncadd.s32 $0xFFFFD000  }
0x146: {  	_ =	swait.ge [sflag:s26], $0x3000  }
0x147: {  	[sflag:s26] =	ssyncset.done $0x0  }
0x148: {  	[sflag:s26] =	ssyncadd.s32 $0xFFFFD000  }
0x149: {  	v3 =	vld [tilespmem:s29+$0xFFFFFFD0];
	_ =	sdelay $0x4  }
0x14a: {  	v60 =	vshrl.u32 v3, $0x3  }
0x14b: {  	v4 =	vmul.u32 $0x30, v60  }
0x14c: {  	v3 =	vand.u32 $0x7, v3  }
0x14d: {  	v3 =	vor.u32 v3, v4  }
0x14e: {  	v4 =	vperm.xlane v3, v0;
	_ =	sdelay $0x1  }
0x14f: {  	v4 =	vadd.s32 v1, v4;
	_ =	sdelay $0x3  }
0x150: {  	v3 =	vperm.xlane v3, v2  }
0x151: {  	[tilespmem:s16], [sflag:$0x3] =	stream.indirect_vreg.gather [hbm4b:s2+s3], $0x80, v4, vm0, $0xb8;
	[tilespmem:$0x1E400] =	vst v63  }
0x152: {  	v3 =	vadd.s32 v1, v3;
	s16 =	simm.s32 $0x12C00  }
0x153: {  	[tilespmem:s16], [sflag:$0x3] =	stream.indirect_vreg.gather [hbm4b:s5+s3], $0x80, v4, vm0, $0xb8;
	[tilespmem:$0x1E400] =	vst v63  }
0x154: {  	s16 =	simm.s32 $0x13400  }
0x155: {  	[tilespmem:s16], [sflag:$0x3] =	stream.indirect_vreg.gather [hbm4b:s6+s3], $0x80, v4, vm0, $0xb8;
	[tilespmem:$0x1E400] =	vst v63  }
0x156: {  	s16 =	simm.s32 $0x13C00  }
0x157: {  	[tilespmem:s16], [sflag:$0x3] =	stream.indirect_vreg.gather [hbm4b:s2+s3], $0x80, v3, vm0, $0xb8;
	[tilespmem:$0x1E400] =	vst v63  }
0x158: {  	s16 =	simm.s32 $0x14400  }
0x159: {  	[tilespmem:s16], [sflag:$0x3] =	stream.indirect_vreg.gather [hbm4b:s5+s3], $0x80, v3, vm0, $0xb8;
	[tilespmem:$0x1E400] =	vst v63  }
0x15a: {  	s16 =	simm.s32 $0x14C00  }
0x15b: {  	[tilespmem:s16], [sflag:$0x3] =	stream.indirect_vreg.gather [hbm4b:s6+s3], $0x80, v3, vm0, $0xb8;
	[tilespmem:$0x1E400] =	vst v63  }
0x15c: {  	v3 =	vld [tilespmem:s29+$0xFFFFFFE0];
	_ =	sdelay $0x4  }
0x15d: {  	v61 =	vshrl.u32 v3, $0x3  }
0x15e: {  	v4 =	vmul.u32 $0x30, v61  }
0x15f: {  	v3 =	vand.u32 $0x7, v3  }
0x160: {  	v3 =	vor.u32 v3, v4  }
0x161: {  	v4 =	vperm.xlane v3, v0;
	_ =	sdelay $0x1  }
0x162: {  	v4 =	vadd.s32 v1, v4;
	_ =	sdelay $0x3  }
0x163: {  	v3 =	vperm.xlane v3, v2  }
0x164: {  	[tilespmem:s22], [sflag:$0x3] =	stream.indirect_vreg.gather [hbm4b:s2+s3], $0x80, v4, vm0, $0xb8;
	[tilespmem:$0x1E400] =	vst v63  }
0x165: {  	s16 =	simm.s32 $0x15C00;
	v3 =	vadd.s32 v1, v3  }
0x166: {  	[tilespmem:s16], [sflag:$0x3] =	stream.indirect_vreg.gather [hbm4b:s5+s3], $0x80, v4, vm0, $0xb8;
	[tilespmem:$0x1E400] =	vst v63  }
0x167: {  	s16 =	simm.s32 $0x16400  }
0x168: {  	[tilespmem:s16], [sflag:$0x3] =	stream.indirect_vreg.gather [hbm4b:s6+s3], $0x80, v4, vm0, $0xb8;
	[tilespmem:$0x1E400] =	vst v63  }
0x169: {  	s16 =	simm.s32 $0x16C00  }
0x16a: {  	[tilespmem:s16], [sflag:$0x3] =	stream.indirect_vreg.gather [hbm4b:s2+s3], $0x80, v3, vm0, $0xb8;
	[tilespmem:$0x1E400] =	vst v63  }
0x16b: {  	s16 =	simm.s32 $0x17400  }
0x16c: {  	[tilespmem:s16], [sflag:$0x3] =	stream.indirect_vreg.gather [hbm4b:s5+s3], $0x80, v3, vm0, $0xb8;
	[tilespmem:$0x1E400] =	vst v63  }
0x16d: {  	s16 =	simm.s32 $0x17C00  }
0x16e: {  	[tilespmem:s16], [sflag:$0x3] =	stream.indirect_vreg.gather [hbm4b:s6+s3], $0x80, v3, vm0, $0xb8;
	[tilespmem:$0x1E400] =	vst v63  }
0x16f: {  	_ =	swait.ge [sflag:s31], $0x3000  }
0x170: {  	[sflag:s31] =	ssyncset.done $0x0  }
0x171: {  	[sflag:s31] =	ssyncadd.s32 $0xFFFFD000  }
0x172: {  	_ =	swait.ge [sflag:s31], $0x3000  }
0x173: {  	s16 =	rddreg [dreg:$0x7];
	[sflag:s31] =	ssyncset.done $0x0  }
0x174: {  	[sflag:s31] =	ssyncadd.s32 $0xFFFFD000;
	s4 =	sadd.s32 s0, s16  }
0x175: {  	[hbm4b:s4+s3] =	stream.linear.scatter [tilespmem:s9], [sflag:$0x6], $0x3000, $0x38;
	[tilespmem:$0x1E400] =	vst v63  }
0x176: {  	s4 =	sadd.s32 $0x600, s4  }
0x177: {  	[hbm4b:s4+s3] =	stream.linear.scatter [tilespmem:s10], [sflag:$0x6], $0x3000, $0x38;
	[tilespmem:$0x1E400] =	vst v63  }
0x178: {  	_ =	swait.ge [sflag:s28], $0x3000  }
0x179: {  	[sflag:s28] =	ssyncset.done $0x0  }
0x17a: {  	[sflag:s28] =	ssyncadd.s32 $0xFFFFD000  }
0x17b: {  	_ =	swait.ge [sflag:s28], $0x3000  }
0x17c: {  	[sflag:s28] =	ssyncset.done $0x0  }
0x17d: {  	[sflag:s28] =	ssyncadd.s32 $0xFFFFD000  }
0x17e: {  	v3 =	vld [tilespmem:s29+$0xFFFFFFF0];
	_ =	sdelay $0x4  }
0x17f: {  	v62 =	vshrl.u32 v3, $0x3  }
0x180: {  	v4 =	vmul.u32 $0x30, v62  }
0x181: {  	v3 =	vand.u32 $0x7, v3  }
0x182: {  	v3 =	vor.u32 v3, v4  }
0x183: {  	v4 =	vperm.xlane v3, v0;
	_ =	sdelay $0x1  }
0x184: {  	v4 =	vadd.s32 v1, v4;
	_ =	sdelay $0x3  }
0x185: {  	v3 =	vperm.xlane v3, v2  }
0x186: {  	[tilespmem:s1], [sflag:$0x4] =	stream.indirect_vreg.gather [hbm4b:s2+s3], $0x80, v4, vm0, $0xb8;
	[tilespmem:$0x1E400] =	vst v63  }
0x187: {  	s16 =	simm.s32 $0x18C00;
	v3 =	vadd.s32 v1, v3  }
0x188: {  	[tilespmem:s16], [sflag:$0x4] =	stream.indirect_vreg.gather [hbm4b:s5+s3], $0x80, v4, vm0, $0xb8;
	[tilespmem:$0x1E400] =	vst v63  }
0x189: {  	s16 =	simm.s32 $0x19400  }
0x18a: {  	[tilespmem:s16], [sflag:$0x4] =	stream.indirect_vreg.gather [hbm4b:s6+s3], $0x80, v4, vm0, $0xb8;
	[tilespmem:$0x1E400] =	vst v63  }
0x18b: {  	s16 =	simm.s32 $0x19C00  }
0x18c: {  	[tilespmem:s16], [sflag:$0x4] =	stream.indirect_vreg.gather [hbm4b:s2+s3], $0x80, v3, vm0, $0xb8;
	[tilespmem:$0x1E400] =	vst v63  }
0x18d: {  	s16 =	simm.s32 $0x1A400  }
0x18e: {  	[tilespmem:s16], [sflag:$0x4] =	stream.indirect_vreg.gather [hbm4b:s5+s3], $0x80, v3, vm0, $0xb8;
	[tilespmem:$0x1E400] =	vst v63  }
0x18f: {  	s16 =	simm.s32 $0x1AC00  }
0x190: {  	[tilespmem:s16], [sflag:$0x4] =	stream.indirect_vreg.gather [hbm4b:s6+s3], $0x80, v3, vm0, $0xb8;
	[tilespmem:$0x1E400] =	vst v63  }
0x191: {  	v3 =	vld [tilespmem:s29+$0x0];
	_ =	sdelay $0x4  }
0x192: {  	v63 =	vshrl.u32 v3, $0x3  }
0x193: {  	v4 =	vmul.u32 $0x30, v63  }
0x194: {  	v3 =	vand.u32 $0x7, v3  }
0x195: {  	v3 =	vor.u32 v3, v4  }
0x196: {  	v4 =	vperm.xlane v3, v0;
	_ =	sdelay $0x1  }
0x197: {  	v4 =	vadd.s32 v1, v4;
	_ =	sdelay $0x3  }
0x198: {  	v3 =	vperm.xlane v3, v2  }
0x199: {  	[tilespmem:s12], [sflag:$0x4] =	stream.indirect_vreg.gather [hbm4b:s2+s3], $0x80, v4, vm0, $0xb8;
	[tilespmem:$0x1E400] =	vst v63  }
0x19a: {  	s16 =	simm.s32 $0x1BC00;
	v3 =	vadd.s32 v1, v3  }
0x19b: {  	[tilespmem:s16], [sflag:$0x4] =	stream.indirect_vreg.gather [hbm4b:s5+s3], $0x80, v4, vm0, $0xb8;
	[tilespmem:$0x1E400] =	vst v63  }
0x19c: {  	_ = 	snop  }
0x19d: {  	[tilespmem:s19], [sflag:$0x4] =	stream.indirect_vreg.gather [hbm4b:s6+s3], $0x80, v4, vm0, $0xb8;
	[tilespmem:$0x1E400] =	vst v63  }
0x19e: {  	p0 =	sne.s32 s0, $0x252000  }
0x19f: {  	[tilespmem:s8], [sflag:$0x4] =	stream.indirect_vreg.gather [hbm4b:s2+s3], $0x80, v3, vm0, $0xb8;
	[tilespmem:$0x1E400] =	vst v63  }
.Ltmp0:
0x1a0: {  	_ = 	snop;
	(pc) =	sbr.rel @p0 .LBB2_2-.Ltmp0, $4  }
0x1a1: {  	_ = 	snop  }
0x1a2: {  	[tilespmem:s11], [sflag:$0x4] =	stream.indirect_vreg.gather [hbm4b:s5+s3], $0x80, v3, vm0, $0xb8;
	[tilespmem:$0x1E400] =	vst v63  }
0x1a3: {  	s13 =	simm.s32 $0x12400;
	s0 =	sadd.s32 $0x3000, s0;
	s29 =	sadd.s32 $0x80, s29  }
0x1a4: {  	[tilespmem:s14], [sflag:$0x4] =	stream.indirect_vreg.gather [hbm4b:s6+s3], $0x80, v3, vm0, $0xb8;
	[tilespmem:$0x1E400] =	vst v63  }
0x1a5: {  	_ =	swait.ge [sflag:s20], $0x3000  }
0x1a6: {  	[sflag:s20] =	ssyncset.done $0x0  }
0x1a7: {  	[sflag:s20] =	ssyncadd.s32 $0xFFFFD000  }
0x1a8: {  	_ =	swait.ge [sflag:s20], $0x3000  }
0x1a9: {  	[sflag:s20] =	ssyncset.done $0x0  }
0x1aa: {  	s0 =	rddreg [dreg:$0xd];
	[sflag:s20] =	ssyncadd.s32 $0xFFFFD000  }
0x1ab: {  	[hbm4b:s0+s3] =	stream.linear.scatter [tilespmem:s13], [sflag:$0x7], $0x3000, $0x38;
	[tilespmem:$0x1E400] =	vst v63  }
0x1ac: {  	s17 =	rddreg [dreg:$0xe]  }
0x1ad: {  	[hbm4b:s17+s3] =	stream.linear.scatter [tilespmem:s22], [sflag:$0x7], $0x3000, $0x38;
	[tilespmem:$0x1E400] =	vst v63  }
0x1ae: {  	_ =	swait.ge [sflag:s24], $0x3000  }
0x1af: {  	[sflag:s24] =	ssyncset.done $0x0  }
0x1b0: {  	[sflag:s24] =	ssyncadd.s32 $0xFFFFD000  }
0x1b1: {  	_ =	swait.ge [sflag:s24], $0x3000  }
0x1b2: {  	[sflag:s24] =	ssyncset.done $0x0  }
0x1b3: {  	s18 =	rddreg [dreg:$0xf];
	[sflag:s24] =	ssyncadd.s32 $0xFFFFD000  }
0x1b4: {  	[hbm4b:s18+s3] =	stream.linear.scatter [tilespmem:s1], [sflag:$0x8], $0x3000, $0x38;
	[tilespmem:$0x1E400] =	vst v63  }
0x1b5: {  	s19 =	rddreg [dreg:$0x10]  }
0x1b6: {  	[hbm4b:s19+s3] =	stream.linear.scatter [tilespmem:s12], [sflag:$0x8], $0x3000, $0x38;
	[tilespmem:$0x1E400] =	vst v63  }
0x1b7: {  	_ =	swait.ge [sflag:s21], $0x3000  }
0x1b8: {  	[sflag:s21] =	ssyncset.done $0x0  }
0x1b9: {  	[sflag:s21] =	ssyncadd.s32 $0xFFFFD000  }
0x1ba: {  	_ =	swait.ge [sflag:s21], $0x3000  }
0x1bb: {  	[sflag:s21] =	ssyncset.done $0x0  }
0x1bc: {  	[sflag:s21] =	ssyncadd.s32 $0xFFFFD000  }
0x1bd: {  	_ =	swait.ge [sflag:s25], $0x3000  }
0x1be: {  	[sflag:s25] =	ssyncset.done $0x0  }
0x1bf: {  	[sflag:s25] =	ssyncadd.s32 $0xFFFFD000  }
0x1c0: {  	_ =	swait.ge [sflag:s25], $0x3000  }
0x1c1: {  	[sflag:s25] =	ssyncset.done $0x0  }
0x1c2: {  	[sflag:s25] =	ssyncadd.s32 $0xFFFFD000  }
0x1c3: {  	_ =	swait.ge [sflag:s26], $0x3000  }
0x1c4: {  	[sflag:s26] =	ssyncset.done $0x0  }
0x1c5: {  	[sflag:s26] =	ssyncadd.s32 $0xFFFFD000  }
0x1c6: {  	_ =	swait.ge [sflag:s26], $0x3000  }
0x1c7: {  	[sflag:s26] =	ssyncset.done $0x0  }
0x1c8: {  	[sflag:s26] =	ssyncadd.s32 $0xFFFFD000  }
0x1c9: {  	_ =	swait.ge [sflag:s28], $0x3000  }
0x1ca: {  	[sflag:s28] =	ssyncset.done $0x0  }
0x1cb: {  	[sflag:s28] =	ssyncadd.s32 $0xFFFFD000  }
0x1cc: {  	_ =	swait.ge [sflag:s28], $0x3000  }
0x1cd: {  	s4 =	rddreg [dreg:$0x12]  }
0x1ce: {  	s8 =	simm.s32 $0x7400;
	s23 =	rddreg [dreg:$0x11];
	s4 =	sadd.s32 $0x1, s4  }
0x1cf: {  	s10 =	simm.s32 $0x7C00;
	s11 =	simm.s32 $0x8400;
	p0 =	sne.s32 s4, s23  }
.Ltmp1:
0x1d0: {  	s9 =	simm.s32 $0x8C00;
	s14 =	simm.s32 $0x9C00;
	(pc) =	sbr.rel @p0 .LBB2_1-.Ltmp1, $4  }
0x1d1: {  	s16 =	simm.s32 $0xA400;
	s7 =	simm.s32 $0xBC00;
	s29 =	simm.s32 $0xCC00  }
0x1d2: {  	s30 =	simm.s32 $0xD400;
	s17 =	simm.s32 $0xB400;
	[sflag:s28] =	ssyncset.done $0x0  }
0x1d3: {  	s18 =	simm.s32 $0xAC00;
	s19 =	simm.s32 $0x6400;
	[sflag:s28] =	ssyncadd.s32 $0xFFFFD000  }
0x1d4: {  	[dreg:$0x12] =	wrdreg s4;
	s4 =	simm.s32 $0x6C00;
	s23 =	simm.s32 $0x9400  }
0x1d5: {  	_ =	sfence.sel $0x180000  }
0x1d6: {  	[bflag:$0x0] =	sbarrier.arrive $0xFFFF  }
0x1d7: {  	_ =	strace $0x90000047  }
0x1d8: {  	s0 =	stileid.u32;
	[bflag:$0x2] =	sbarrier.arrive $0xFFFF  }
0x1d9: {  	p0 =	sne.s32 s0, $0x0;
	s0 =	rddreg [dreg:$0x3]  }
0x1da: {  	s0 =	sadd.s32 @!p0 $0x100000, s0  }
0x1db: {  	[sflag:s0] =	ssyncadd.tile.s32 @!p0 $0x1;
	_ =	shalt  }
.Lfunc_end2:
_tile_overlayer_lowered:
.L_overlay_start_2:
0x1dc: {  	(tag) =	ssettag $0x2  }
0x1dd: {  	s0 =	rddreg [dreg:$0x0];
	s2 =	stileid.u32  }
0x1de: {  	s1 =	rddreg [dreg:$0x1];
	p0 =	sne.s32 s2, $0x0  }
0x1df: {  	s3 =	rddreg [dreg:$0x2];
	[bflag:$0x3] =	sbarrier.arrive $0xFFFF;
	s2 =	simm.s32 @!p0 $0x1C09  }
0x1e0: {  	[timem:s3], [sflag:s2] =	dma.local @!p0 [hbm:s0], s1  }
0x1e1: {  	s0 =	simm.s32 @!p0 $0x9  }
0x1e2: {  	_ =	swait.ge @!p0 [sflag:s0], s1  }
0x1e3: {  	s1 =	ssub.s32 @!p0 $0x0, s1;
	[sflag:s0] =	ssyncset.done @!p0 $0x0  }
0x1e4: {  	[sflag:s0] =	ssyncadd.s32 @!p0 s1  }
0x1e5: {  	[bflag:$0x3] =	sbarrier.arrive $0xFFFF  }
0x1e6: {  	_ =	shalt  }

</sc_bundles>
